<compile_context>
chip_gen: v7x
topology: tpu7x:2x2x1
jax: 0.10.2.dev20260603
libtpu: 0.0.44.dev20260713+nightly
codegen_flags: <defaults>
</compile_context>

<pallas_src>
import functools

import jax
import jax.numpy as jnp
from jax import lax
from jax.experimental import pallas as pl
from jax.experimental.pallas import tpu as pltpu
from jax.experimental.pallas import tpu_sc as plsc

_NC = 2
_NS = 16
_NW = _NC * _NS
_L = 16


def _sc_gather(log_em, obs):
    S, V = log_em.shape
    B = obs.shape[0]
    CHUNK = min(4096, B)
    U = 8
    n_full = S // _NW
    n_rem = S - n_full * _NW
    BW = B // _NW
    RJ = BW // 128
    assert B % CHUNK == 0 and CHUNK % (_L * U) == 0
    assert B % (_NW * 128) == 0

    rem_flat = log_em[n_full * _NW:].reshape(n_rem * V)

    mesh = plsc.VectorSubcoreMesh(
        core_axis_name="c", subcore_axis_name="s",
        num_cores=_NC, num_subcores=_NS)

    @functools.partial(
        pl.kernel, mesh=mesh,
        compiler_params=pltpu.CompilerParams(needs_layout_passes=False),
        out_type=jax.ShapeDtypeStruct((S, B), jnp.float32),
        scratch_types=[
            pltpu.VMEM((V,), jnp.float32),
            pltpu.VMEM((B,), jnp.int32),
            pltpu.VMEM((2, CHUNK), jnp.float32),
            pltpu.VMEM((n_rem, RJ, 128), jnp.int32),
            pltpu.VMEM((n_rem, RJ, 128), jnp.float32),
            pltpu.SemaphoreType.DMA,
            pltpu.SemaphoreType.DMA,
            pltpu.SemaphoreType.DMA,
            pltpu.SemaphoreType.DMA,
        ],
    )
    def k(table_hbm, rem_hbm, obs_hbm, out_hbm,
          row_v, idx_v, out_v, ridx_v, rval_v, sem0, sem1, semr, semrow):
        wid = lax.axis_index("s") * _NC + lax.axis_index("c")
        base_col = wid * BW

        row_copy = pltpu.async_copy(table_hbm.at[wid], row_v, semrow)
        pltpu.sync_copy(obs_hbm, idx_v)
        rem_copies = []
        for rr in range(n_rem):
            for j in range(RJ):
                for i in range(128 // _L):
                    off = j * 128 + i * _L
                    ridx_v[rr, j, pl.ds(i * _L, _L)] = (
                        idx_v[pl.ds(base_col + off, _L)] + rr * V)
                rem_copies.append(pltpu.async_copy(
                    rem_hbm.at[ridx_v.at[rr, j]],
                    rval_v.at[rr, j], semr))

        sems = (sem0, sem1)
        pending = [None, None]
        for kk in range(n_full):
            row_copy.wait()
            for ci in range(B // CHUNK):
                b = ci % 2
                if pending[b] is not None:
                    pending[b].wait()

                @plsc.parallel_loop(0, CHUNK, _L, unroll=U)
                def g(o2, ci=ci, b=b):
                    idx = idx_v[pl.ds(ci * CHUNK + o2, _L)]
                    out_v[b, pl.ds(o2, _L)] = plsc.load_gather(
                        row_v, [idx])
                pending[b] = pltpu.async_copy(
                    out_v.at[b],
                    out_hbm.at[kk * _NW + wid, pl.ds(ci * CHUNK, CHUNK)],
                    sems[b])

            if kk + 1 < n_full:
                row_copy = pltpu.async_copy(
                    table_hbm.at[(kk + 1) * _NW + wid], row_v, semrow)
                if kk + 2 == n_full:
                    for c in rem_copies:
                        c.wait()
                    for rr in range(n_rem):
                        r = n_full * _NW + rr
                        for j in range(RJ):
                            pltpu.sync_copy(
                                rval_v.at[rr, pl.ds(j, 1)],
                                out_hbm.at[pl.ds(r, 1),
                                           pl.ds(base_col + j * 128, 128)])

        if n_full < 2:
            for c in rem_copies:
                c.wait()
            for rr in range(n_rem):
                r = n_full * _NW + rr
                for j in range(RJ):
                    pltpu.sync_copy(
                        rval_v.at[rr, pl.ds(j, 1)],
                        out_hbm.at[pl.ds(r, 1),
                                   pl.ds(base_col + j * 128, 128)])

        for b in range(2):
            if pending[b] is not None:
                pending[b].wait()

    return k(log_em, rem_flat, obs)


def _tc_log_softmax(g):
    S, B = g.shape
    BLK = 8192

    def body(x_ref, o_ref):
        x = x_ref[...]
        m = jnp.max(x, axis=0, keepdims=True)
        e = jnp.exp(x - m)
        s = jnp.sum(e, axis=0, keepdims=True)
        o_ref[...] = (x - m) - jnp.log(s)

    return pl.pallas_call(
        body,
        grid=(B // BLK,),
        in_specs=[pl.BlockSpec((S, BLK), lambda i: (0, i))],
        out_specs=pl.BlockSpec((S, BLK), lambda i: (0, i)),
        out_shape=jax.ShapeDtypeStruct((S, B), jnp.float32),
    )(g)


def kernel(log_em, obs):
    g = _sc_gather(log_em, obs)
    return _tc_log_softmax(g)

# --- scband reference (transcript-rebuilt; emitter-appended) ---
"""Pipeline reference for scband-categorical-emission-16664473108523 (READ-ONLY COPY).

The authoritative reference and input builder live on the scoring server;
editing this copy changes nothing except your own understanding.
"""

import jax, jax.numpy as jnp
import numpy as np

N_STATES = 65  # 1 + n_states (bookend)
N_OBVS = 100001  # 1 + n_obvs (bookend)
BATCH = 16384
LOG_PROBS_PRECISION = -1e5


def _normalize_emission(log_em):
    log_em = log_em.at[0, :].set(LOG_PROBS_PRECISION)
    log_em = log_em.at[0, 0].set(0.0)
    log_em = log_em.at[1:, 0].set(LOG_PROBS_PRECISION)
    return jax.nn.log_softmax(log_em, axis=1)


def setup_inputs(seed: int = 0) -> dict:
    key = jax.random.key(seed)
    k1, k2 = jax.random.split(key)
    log_em = jax.random.normal(k1, (N_STATES, N_OBVS), dtype=jnp.float32)
    log_em = _normalize_emission(log_em)
    obs = jax.random.randint(k2, (BATCH,), 0, N_OBVS, dtype=jnp.int32)
    return {"log_em": log_em, "obs": obs}


def reference(log_em, obs):
    # forward(obs) = log_emission(None, obs).log_softmax(dim=0)
    # log_emission(None, obs) = log_em[:, obs]  -> shape (N_STATES, BATCH)
    gathered = jnp.take(log_em, obs, axis=1)
    return jax.nn.log_softmax(gathered, axis=0)

if __name__ == "__main__":
    import jax
    _d = setup_inputs()
    print(jax.jit(kernel)(*tuple(_d.values())))

</pallas_src>

<mosaic_0001>
#map = affine_map<(d0, d1) -> (0, 0)>
#map1 = affine_map<(d0, d1) -> (0)>
module attributes {stable_mosaic.version = 14 : i64} {
  func.func @k(%arg0: i32, %arg1: i32, %arg2: memref<65x100001xf32, #tpu.memory_space<hbm>>, %arg3: memref<100001xf32, #tpu.memory_space<hbm>>, %arg4: memref<16384xi32, #tpu.memory_space<hbm>>, %arg5: memref<65x16384xf32, #tpu.memory_space<hbm>>, %arg6: memref<100001xf32, #tpu.memory_space<vmem>>, %arg7: memref<16384xi32, #tpu.memory_space<vmem>>, %arg8: memref<2x4096xf32, #tpu.memory_space<vmem>>, %arg9: memref<1x4x128xi32, #tpu.memory_space<vmem>>, %arg10: memref<1x4x128xf32, #tpu.memory_space<vmem>>, %arg11: memref<!tpu.dma_semaphore, #tpu.memory_space<semaphore_mem>>, %arg12: memref<!tpu.dma_semaphore, #tpu.memory_space<semaphore_mem>>, %arg13: memref<!tpu.dma_semaphore, #tpu.memory_space<semaphore_mem>>, %arg14: memref<!tpu.dma_semaphore, #tpu.memory_space<semaphore_mem>>) attributes {dimension_semantics = [#tpu.dimension_semantics<core_parallel>, #tpu.dimension_semantics<subcore_parallel>], iteration_bounds = array<i64: 2, 16>, scalar_prefetch = 0 : i64, scratch_operands = 9 : i64, tpu.core_type = #tpu.core_type<sc_vector_subcore>, window_params = [{transform_indices = #map}, {transform_indices = #map1}, {transform_indices = #map1}, {transform_indices = #map}]} {
    %mul3A = arith.constant 2 : i32
    %mul3A_0 = arith.muli %arg1, %mul3A : i32
    %add3A = arith.addi %mul3A_0, %arg0 : i32
    %mul3A_1 = arith.constant 512 : i32
    %mul3A_2 = arith.muli %add3A, %mul3A_1 : i32
    %dma_start3A = arith.constant 0 : i32
    %dma_start3A_3 = tpu.memref_slice %arg2[%add3A, %dma_start3A] : memref<65x100001xf32, #tpu.memory_space<hbm>> -> memref<1x100001xf32, #tpu.memory_space<hbm>>
    %dma_start3A_4 = tpu.memref_squeeze %dma_start3A_3 : memref<1x100001xf32, #tpu.memory_space<hbm>> -> memref<100001xf32, #tpu.memory_space<hbm>>
    %dma_start3A_5 = arith.constant 0 : i32
    %dma_start3A_6 = tpu.memref_slice %arg2[%add3A, %dma_start3A_5] : memref<65x100001xf32, #tpu.memory_space<hbm>> -> memref<1x100001xf32, #tpu.memory_space<hbm>>
    %dma_start3A_7 = tpu.memref_squeeze %dma_start3A_6 : memref<1x100001xf32, #tpu.memory_space<hbm>> -> memref<100001xf32, #tpu.memory_space<hbm>>
    tpu.enqueue_dma source(%dma_start3A_7 : memref<100001xf32, #tpu.memory_space<hbm>>) target(%arg6 : memref<100001xf32, #tpu.memory_space<vmem>>) target_semaphore(%arg14 : memref<!tpu.dma_semaphore, #tpu.memory_space<semaphore_mem>>)
    "tpu.region"() ({
      %run_scoped3A_795 = tpu.sem_alloc : memref<!tpu.dma_semaphore, #tpu.memory_space<semaphore_mem>>
      tpu.enqueue_dma source(%arg4 : memref<16384xi32, #tpu.memory_space<hbm>>) target(%arg7 : memref<16384xi32, #tpu.memory_space<vmem>>) target_semaphore(%run_scoped3A_795 : memref<!tpu.dma_semaphore, #tpu.memory_space<semaphore_mem>>)
      tpu.wait_dma2 semaphore(%run_scoped3A_795 : memref<!tpu.dma_semaphore, #tpu.memory_space<semaphore_mem>>) src(%arg4 : memref<16384xi32, #tpu.memory_space<hbm>>) dst(%arg7 : memref<16384xi32, #tpu.memory_space<vmem>>)
      tpu.yield
    }) : () -> ()
    %add3A_8 = arith.constant 0 : i32
    %add3A_9 = arith.addi %mul3A_2, %add3A_8 : i32
    %get3A = arith.index_cast %add3A_9 : i32 to index
    %get3A_10 = tpu.vector_load %arg7[%get3A] {strides = array<i32>} : memref<16384xi32, #tpu.memory_space<vmem>>, vector<16xi32>,
    %add3A_11 = arith.constant 0 : i32
    %add3A_12 = vector.broadcast %add3A_11 : i32 to vector<16xi32>
    %add3A_13 = arith.addi %get3A_10, %add3A_12 : vector<16xi32>
    %swap3A = arith.constant 0 : i32
    %swap3A_14 = arith.constant 0 : i32
    %swap3A_15 = arith.index_cast %swap3A : i32 to index
    %swap3A_16 = arith.index_cast %swap3A_14 : i32 to index
    %swap3A_17 = arith.constant 0 : index
    %swap3A_18 = tpu.vector_load %arg9[%swap3A_15, %swap3A_16, %swap3A_17] {strides = array<i32>} : memref<1x4x128xi32, #tpu.memory_space<vmem>>, vector<16xi32>,
    tpu.vector_store %arg9[%swap3A_15, %swap3A_16, %swap3A_17], %add3A_13 {strides = array<i32>} : memref<1x4x128xi32, #tpu.memory_space<vmem>>, vector<16xi32>,
    %add3A_19 = arith.constant 16 : i32
    %add3A_20 = arith.addi %mul3A_2, %add3A_19 : i32
    %get3A_21 = arith.index_cast %add3A_20 : i32 to index
    %get3A_22 = tpu.vector_load %arg7[%get3A_21] {strides = array<i32>} : memref<16384xi32, #tpu.memory_space<vmem>>, vector<16xi32>,
    %add3A_23 = arith.constant 0 : i32
    %add3A_24 = vector.broadcast %add3A_23 : i32 to vector<16xi32>
    %add3A_25 = arith.addi %get3A_22, %add3A_24 : vector<16xi32>
    %swap3A_26 = arith.constant 0 : i32
    %swap3A_27 = arith.constant 0 : i32
    %swap3A_28 = arith.index_cast %swap3A_26 : i32 to index
    %swap3A_29 = arith.index_cast %swap3A_27 : i32 to index
    %swap3A_30 = arith.constant 16 : index
    %swap3A_31 = tpu.vector_load %arg9[%swap3A_28, %swap3A_29, %swap3A_30] {strides = array<i32>} : memref<1x4x128xi32, #tpu.memory_space<vmem>>, vector<16xi32>,
    tpu.vector_store %arg9[%swap3A_28, %swap3A_29, %swap3A_30], %add3A_25 {strides = array<i32>} : memref<1x4x128xi32, #tpu.memory_space<vmem>>, vector<16xi32>,
    %add3A_32 = arith.constant 32 : i32
    %add3A_33 = arith.addi %mul3A_2, %add3A_32 : i32
    %get3A_34 = arith.index_cast %add3A_33 : i32 to index
    %get3A_35 = tpu.vector_load %arg7[%get3A_34] {strides = array<i32>} : memref<16384xi32, #tpu.memory_space<vmem>>, vector<16xi32>,
    %add3A_36 = arith.constant 0 : i32
    %add3A_37 = vector.broadcast %add3A_36 : i32 to vector<16xi32>
    %add3A_38 = arith.addi %get3A_35, %add3A_37 : vector<16xi32>
    %swap3A_39 = arith.constant 0 : i32
    %swap3A_40 = arith.constant 0 : i32
    %swap3A_41 = arith.index_cast %swap3A_39 : i32 to index
    %swap3A_42 = arith.index_cast %swap3A_40 : i32 to index
    %swap3A_43 = arith.constant 32 : index
    %swap3A_44 = tpu.vector_load %arg9[%swap3A_41, %swap3A_42, %swap3A_43] {strides = array<i32>} : memref<1x4x128xi32, #tpu.memory_space<vmem>>, vector<16xi32>,
    tpu.vector_store %arg9[%swap3A_41, %swap3A_42, %swap3A_43], %add3A_38 {strides = array<i32>} : memref<1x4x128xi32, #tpu.memory_space<vmem>>, vector<16xi32>,
    %add3A_45 = arith.constant 48 : i32
    %add3A_46 = arith.addi %mul3A_2, %add3A_45 : i32
    %get3A_47 = arith.index_cast %add3A_46 : i32 to index
    %get3A_48 = tpu.vector_load %arg7[%get3A_47] {strides = array<i32>} : memref<16384xi32, #tpu.memory_space<vmem>>, vector<16xi32>,
    %add3A_49 = arith.constant 0 : i32
    %add3A_50 = vector.broadcast %add3A_49 : i32 to vector<16xi32>
    %add3A_51 = arith.addi %get3A_48, %add3A_50 : vector<16xi32>
    %swap3A_52 = arith.constant 0 : i32
    %swap3A_53 = arith.constant 0 : i32
    %swap3A_54 = arith.index_cast %swap3A_52 : i32 to index
    %swap3A_55 = arith.index_cast %swap3A_53 : i32 to index
    %swap3A_56 = arith.constant 48 : index
    %swap3A_57 = tpu.vector_load %arg9[%swap3A_54, %swap3A_55, %swap3A_56] {strides = array<i32>} : memref<1x4x128xi32, #tpu.memory_space<vmem>>, vector<16xi32>,
    tpu.vector_store %arg9[%swap3A_54, %swap3A_55, %swap3A_56], %add3A_51 {strides = array<i32>} : memref<1x4x128xi32, #tpu.memory_space<vmem>>, vector<16xi32>,
    %add3A_58 = arith.constant 64 : i32
    %add3A_59 = arith.addi %mul3A_2, %add3A_58 : i32
    %get3A_60 = arith.index_cast %add3A_59 : i32 to index
    %get3A_61 = tpu.vector_load %arg7[%get3A_60] {strides = array<i32>} : memref<16384xi32, #tpu.memory_space<vmem>>, vector<16xi32>,
    %add3A_62 = arith.constant 0 : i32
    %add3A_63 = vector.broadcast %add3A_62 : i32 to vector<16xi32>
    %add3A_64 = arith.addi %get3A_61, %add3A_63 : vector<16xi32>
    %swap3A_65 = arith.constant 0 : i32
    %swap3A_66 = arith.constant 0 : i32
    %swap3A_67 = arith.index_cast %swap3A_65 : i32 to index
    %swap3A_68 = arith.index_cast %swap3A_66 : i32 to index
    %swap3A_69 = arith.constant 64 : index
    %swap3A_70 = tpu.vector_load %arg9[%swap3A_67, %swap3A_68, %swap3A_69] {strides = array<i32>} : memref<1x4x128xi32, #tpu.memory_space<vmem>>, vector<16xi32>,
    tpu.vector_store %arg9[%swap3A_67, %swap3A_68, %swap3A_69], %add3A_64 {strides = array<i32>} : memref<1x4x128xi32, #tpu.memory_space<vmem>>, vector<16xi32>,
    %add3A_71 = arith.constant 80 : i32
    %add3A_72 = arith.addi %mul3A_2, %add3A_71 : i32
    %get3A_73 = arith.index_cast %add3A_72 : i32 to index
    %get3A_74 = tpu.vector_load %arg7[%get3A_73] {strides = array<i32>} : memref<16384xi32, #tpu.memory_space<vmem>>, vector<16xi32>,
    %add3A_75 = arith.constant 0 : i32
    %add3A_76 = vector.broadcast %add3A_75 : i32 to vector<16xi32>
    %add3A_77 = arith.addi %get3A_74, %add3A_76 : vector<16xi32>
    %swap3A_78 = arith.constant 0 : i32
    %swap3A_79 = arith.constant 0 : i32
    %swap3A_80 = arith.index_cast %swap3A_78 : i32 to index
    %swap3A_81 = arith.index_cast %swap3A_79 : i32 to index
    %swap3A_82 = arith.constant 80 : index
    %swap3A_83 = tpu.vector_load %arg9[%swap3A_80, %swap3A_81, %swap3A_82] {strides = array<i32>} : memref<1x4x128xi32, #tpu.memory_space<vmem>>, vector<16xi32>,
    tpu.vector_store %arg9[%swap3A_80, %swap3A_81, %swap3A_82], %add3A_77 {strides = array<i32>} : memref<1x4x128xi32, #tpu.memory_space<vmem>>, vector<16xi32>,
    %add3A_84 = arith.constant 96 : i32
    %add3A_85 = arith.addi %mul3A_2, %add3A_84 : i32
    %get3A_86 = arith.index_cast %add3A_85 : i32 to index
    %get3A_87 = tpu.vector_load %arg7[%get3A_86] {strides = array<i32>} : memref<16384xi32, #tpu.memory_space<vmem>>, vector<16xi32>,
    %add3A_88 = arith.constant 0 : i32
    %add3A_89 = vector.broadcast %add3A_88 : i32 to vector<16xi32>
    %add3A_90 = arith.addi %get3A_87, %add3A_89 : vector<16xi32>
    %swap3A_91 = arith.constant 0 : i32
    %swap3A_92 = arith.constant 0 : i32
    %swap3A_93 = arith.index_cast %swap3A_91 : i32 to index
    %swap3A_94 = arith.index_cast %swap3A_92 : i32 to index
    %swap3A_95 = arith.constant 96 : index
    %swap3A_96 = tpu.vector_load %arg9[%swap3A_93, %swap3A_94, %swap3A_95] {strides = array<i32>} : memref<1x4x128xi32, #tpu.memory_space<vmem>>, vector<16xi32>,
    tpu.vector_store %arg9[%swap3A_93, %swap3A_94, %swap3A_95], %add3A_90 {strides = array<i32>} : memref<1x4x128xi32, #tpu.memory_space<vmem>>, vector<16xi32>,
    %add3A_97 = arith.constant 112 : i32
    %add3A_98 = arith.addi %mul3A_2, %add3A_97 : i32
    %get3A_99 = arith.index_cast %add3A_98 : i32 to index
    %get3A_100 = tpu.vector_load %arg7[%get3A_99] {strides = array<i32>} : memref<16384xi32, #tpu.memory_space<vmem>>, vector<16xi32>,
    %add3A_101 = arith.constant 0 : i32
    %add3A_102 = vector.broadcast %add3A_101 : i32 to vector<16xi32>
    %add3A_103 = arith.addi %get3A_100, %add3A_102 : vector<16xi32>
    %swap3A_104 = arith.constant 0 : i32
    %swap3A_105 = arith.constant 0 : i32
    %swap3A_106 = arith.index_cast %swap3A_104 : i32 to index
    %swap3A_107 = arith.index_cast %swap3A_105 : i32 to index
    %swap3A_108 = arith.constant 112 : index
    %swap3A_109 = tpu.vector_load %arg9[%swap3A_106, %swap3A_107, %swap3A_108] {strides = array<i32>} : memref<1x4x128xi32, #tpu.memory_space<vmem>>, vector<16xi32>,
    tpu.vector_store %arg9[%swap3A_106, %swap3A_107, %swap3A_108], %add3A_103 {strides = array<i32>} : memref<1x4x128xi32, #tpu.memory_space<vmem>>, vector<16xi32>,
    %dma_start3A_110 = arith.constant 0 : i32
    %dma_start3A_111 = arith.constant 0 : i32
    %dma_start3A_112 = arith.constant 0 : i32
    %dma_start3A_113 = arith.constant 0 : i32
    %dma_start3A_114 = arith.constant 0 : i32
    %dma_start3A_115 = tpu.memref_slice %arg10[%dma_start3A_112, %dma_start3A_113, %dma_start3A_114] : memref<1x4x128xf32, #tpu.memory_space<vmem>> -> memref<1x1x128xf32, #tpu.memory_space<vmem>>
    %dma_start3A_116 = tpu.memref_squeeze %dma_start3A_115 : memref<1x1x128xf32, #tpu.memory_space<vmem>> -> memref<128xf32, #tpu.memory_space<vmem>>
    %dma_start3A_117 = arith.constant 0 : i32
    %dma_start3A_118 = tpu.memref_slice %arg9[%dma_start3A_110, %dma_start3A_111, %dma_start3A_117] : memref<1x4x128xi32, #tpu.memory_space<vmem>> -> memref<1x1x128xi32, #tpu.memory_space<vmem>>
    %dma_start3A_119 = tpu.memref_squeeze %dma_start3A_118 : memref<1x1x128xi32, #tpu.memory_space<vmem>> -> memref<128xi32, #tpu.memory_space<vmem>>
    %dma_start3A_120 = arith.constant 0 : i32
    %dma_start3A_121 = tpu.memref_slice %arg3[%dma_start3A_120] : memref<100001xf32, #tpu.memory_space<hbm>> -> memref<100001xf32, #tpu.memory_space<hbm>>
    tpu.enqueue_indirect_dma source(%dma_start3A_121 : memref<100001xf32, #tpu.memory_space<hbm>>) target(%dma_start3A_116 : memref<128xf32, #tpu.memory_space<vmem>>) offsets(%dma_start3A_119 : memref<128xi32, #tpu.memory_space<vmem>>) semaphore(%arg13 : memref<!tpu.dma_semaphore, #tpu.memory_space<semaphore_mem>>)
    %add3A_122 = arith.constant 128 : i32
    %add3A_123 = arith.addi %mul3A_2, %add3A_122 : i32
    %get3A_124 = arith.index_cast %add3A_123 : i32 to index
    %get3A_125 = tpu.vector_load %arg7[%get3A_124] {strides = array<i32>} : memref<16384xi32, #tpu.memory_space<vmem>>, vector<16xi32>,
    %add3A_126 = arith.constant 0 : i32
    %add3A_127 = vector.broadcast %add3A_126 : i32 to vector<16xi32>
    %add3A_128 = arith.addi %get3A_125, %add3A_127 : vector<16xi32>
    %swap3A_129 = arith.constant 0 : i32
    %swap3A_130 = arith.constant 1 : i32
    %swap3A_131 = arith.index_cast %swap3A_129 : i32 to index
    %swap3A_132 = arith.index_cast %swap3A_130 : i32 to index
    %swap3A_133 = arith.constant 0 : index
    %swap3A_134 = tpu.vector_load %arg9[%swap3A_131, %swap3A_132, %swap3A_133] {strides = array<i32>} : memref<1x4x128xi32, #tpu.memory_space<vmem>>, vector<16xi32>,
    tpu.vector_store %arg9[%swap3A_131, %swap3A_132, %swap3A_133], %add3A_128 {strides = array<i32>} : memref<1x4x128xi32, #tpu.memory_space<vmem>>, vector<16xi32>,
    %add3A_135 = arith.constant 144 : i32
    %add3A_136 = arith.addi %mul3A_2, %add3A_135 : i32
    %get3A_137 = arith.index_cast %add3A_136 : i32 to index
    %get3A_138 = tpu.vector_load %arg7[%get3A_137] {strides = array<i32>} : memref<16384xi32, #tpu.memory_space<vmem>>, vector<16xi32>,
    %add3A_139 = arith.constant 0 : i32
    %add3A_140 = vector.broadcast %add3A_139 : i32 to vector<16xi32>
    %add3A_141 = arith.addi %get3A_138, %add3A_140 : vector<16xi32>
    %swap3A_142 = arith.constant 0 : i32
    %swap3A_143 = arith.constant 1 : i32
    %swap3A_144 = arith.index_cast %swap3A_142 : i32 to index
    %swap3A_145 = arith.index_cast %swap3A_143 : i32 to index
    %swap3A_146 = arith.constant 16 : index
    %swap3A_147 = tpu.vector_load %arg9[%swap3A_144, %swap3A_145, %swap3A_146] {strides = array<i32>} : memref<1x4x128xi32, #tpu.memory_space<vmem>>, vector<16xi32>,
    tpu.vector_store %arg9[%swap3A_144, %swap3A_145, %swap3A_146], %add3A_141 {strides = array<i32>} : memref<1x4x128xi32, #tpu.memory_space<vmem>>, vector<16xi32>,
    %add3A_148 = arith.constant 160 : i32
    %add3A_149 = arith.addi %mul3A_2, %add3A_148 : i32
    %get3A_150 = arith.index_cast %add3A_149 : i32 to index
    %get3A_151 = tpu.vector_load %arg7[%get3A_150] {strides = array<i32>} : memref<16384xi32, #tpu.memory_space<vmem>>, vector<16xi32>,
    %add3A_152 = arith.constant 0 : i32
    %add3A_153 = vector.broadcast %add3A_152 : i32 to vector<16xi32>
    %add3A_154 = arith.addi %get3A_151, %add3A_153 : vector<16xi32>
    %swap3A_155 = arith.constant 0 : i32
    %swap3A_156 = arith.constant 1 : i32
    %swap3A_157 = arith.index_cast %swap3A_155 : i32 to index
    %swap3A_158 = arith.index_cast %swap3A_156 : i32 to index
    %swap3A_159 = arith.constant 32 : index
    %swap3A_160 = tpu.vector_load %arg9[%swap3A_157, %swap3A_158, %swap3A_159] {strides = array<i32>} : memref<1x4x128xi32, #tpu.memory_space<vmem>>, vector<16xi32>,
    tpu.vector_store %arg9[%swap3A_157, %swap3A_158, %swap3A_159], %add3A_154 {strides = array<i32>} : memref<1x4x128xi32, #tpu.memory_space<vmem>>, vector<16xi32>,
    %add3A_161 = arith.constant 176 : i32
    %add3A_162 = arith.addi %mul3A_2, %add3A_161 : i32
    %get3A_163 = arith.index_cast %add3A_162 : i32 to index
    %get3A_164 = tpu.vector_load %arg7[%get3A_163] {strides = array<i32>} : memref<16384xi32, #tpu.memory_space<vmem>>, vector<16xi32>,
    %add3A_165 = arith.constant 0 : i32
    %add3A_166 = vector.broadcast %add3A_165 : i32 to vector<16xi32>
    %add3A_167 = arith.addi %get3A_164, %add3A_166 : vector<16xi32>
    %swap3A_168 = arith.constant 0 : i32
    %swap3A_169 = arith.constant 1 : i32
    %swap3A_170 = arith.index_cast %swap3A_168 : i32 to index
    %swap3A_171 = arith.index_cast %swap3A_169 : i32 to index
    %swap3A_172 = arith.constant 48 : index
    %swap3A_173 = tpu.vector_load %arg9[%swap3A_170, %swap3A_171, %swap3A_172] {strides = array<i32>} : memref<1x4x128xi32, #tpu.memory_space<vmem>>, vector<16xi32>,
    tpu.vector_store %arg9[%swap3A_170, %swap3A_171, %swap3A_172], %add3A_167 {strides = array<i32>} : memref<1x4x128xi32, #tpu.memory_space<vmem>>, vector<16xi32>,
    %add3A_174 = arith.constant 192 : i32
    %add3A_175 = arith.addi %mul3A_2, %add3A_174 : i32
    %get3A_176 = arith.index_cast %add3A_175 : i32 to index
    %get3A_177 = tpu.vector_load %arg7[%get3A_176] {strides = array<i32>} : memref<16384xi32, #tpu.memory_space<vmem>>, vector<16xi32>,
    %add3A_178 = arith.constant 0 : i32
    %add3A_179 = vector.broadcast %add3A_178 : i32 to vector<16xi32>
    %add3A_180 = arith.addi %get3A_177, %add3A_179 : vector<16xi32>
    %swap3A_181 = arith.constant 0 : i32
    %swap3A_182 = arith.constant 1 : i32
    %swap3A_183 = arith.index_cast %swap3A_181 : i32 to index
    %swap3A_184 = arith.index_cast %swap3A_182 : i32 to index
    %swap3A_185 = arith.constant 64 : index
    %swap3A_186 = tpu.vector_load %arg9[%swap3A_183, %swap3A_184, %swap3A_185] {strides = array<i32>} : memref<1x4x128xi32, #tpu.memory_space<vmem>>, vector<16xi32>,
    tpu.vector_store %arg9[%swap3A_183, %swap3A_184, %swap3A_185], %add3A_180 {strides = array<i32>} : memref<1x4x128xi32, #tpu.memory_space<vmem>>, vector<16xi32>,
    %add3A_187 = arith.constant 208 : i32
    %add3A_188 = arith.addi %mul3A_2, %add3A_187 : i32
    %get3A_189 = arith.index_cast %add3A_188 : i32 to index
    %get3A_190 = tpu.vector_load %arg7[%get3A_189] {strides = array<i32>} : memref<16384xi32, #tpu.memory_space<vmem>>, vector<16xi32>,
    %add3A_191 = arith.constant 0 : i32
    %add3A_192 = vector.broadcast %add3A_191 : i32 to vector<16xi32>
    %add3A_193 = arith.addi %get3A_190, %add3A_192 : vector<16xi32>
    %swap3A_194 = arith.constant 0 : i32
    %swap3A_195 = arith.constant 1 : i32
    %swap3A_196 = arith.index_cast %swap3A_194 : i32 to index
    %swap3A_197 = arith.index_cast %swap3A_195 : i32 to index
    %swap3A_198 = arith.constant 80 : index
    %swap3A_199 = tpu.vector_load %arg9[%swap3A_196, %swap3A_197, %swap3A_198] {strides = array<i32>} : memref<1x4x128xi32, #tpu.memory_space<vmem>>, vector<16xi32>,
    tpu.vector_store %arg9[%swap3A_196, %swap3A_197, %swap3A_198], %add3A_193 {strides = array<i32>} : memref<1x4x128xi32, #tpu.memory_space<vmem>>, vector<16xi32>,
    %add3A_200 = arith.constant 224 : i32
    %add3A_201 = arith.addi %mul3A_2, %add3A_200 : i32
    %get3A_202 = arith.index_cast %add3A_201 : i32 to index
    %get3A_203 = tpu.vector_load %arg7[%get3A_202] {strides = array<i32>} : memref<16384xi32, #tpu.memory_space<vmem>>, vector<16xi32>,
    %add3A_204 = arith.constant 0 : i32
    %add3A_205 = vector.broadcast %add3A_204 : i32 to vector<16xi32>
    %add3A_206 = arith.addi %get3A_203, %add3A_205 : vector<16xi32>
    %swap3A_207 = arith.constant 0 : i32
    %swap3A_208 = arith.constant 1 : i32
    %swap3A_209 = arith.index_cast %swap3A_207 : i32 to index
    %swap3A_210 = arith.index_cast %swap3A_208 : i32 to index
    %swap3A_211 = arith.constant 96 : index
    %swap3A_212 = tpu.vector_load %arg9[%swap3A_209, %swap3A_210, %swap3A_211] {strides = array<i32>} : memref<1x4x128xi32, #tpu.memory_space<vmem>>, vector<16xi32>,
    tpu.vector_store %arg9[%swap3A_209, %swap3A_210, %swap3A_211], %add3A_206 {strides = array<i32>} : memref<1x4x128xi32, #tpu.memory_space<vmem>>, vector<16xi32>,
    %add3A_213 = arith.constant 240 : i32
    %add3A_214 = arith.addi %mul3A_2, %add3A_213 : i32
    %get3A_215 = arith.index_cast %add3A_214 : i32 to index
    %get3A_216 = tpu.vector_load %arg7[%get3A_215] {strides = array<i32>} : memref<16384xi32, #tpu.memory_space<vmem>>, vector<16xi32>,
    %add3A_217 = arith.constant 0 : i32
    %add3A_218 = vector.broadcast %add3A_217 : i32 to vector<16xi32>
    %add3A_219 = arith.addi %get3A_216, %add3A_218 : vector<16xi32>
    %swap3A_220 = arith.constant 0 : i32
    %swap3A_221 = arith.constant 1 : i32
    %swap3A_222 = arith.index_cast %swap3A_220 : i32 to index
    %swap3A_223 = arith.index_cast %swap3A_221 : i32 to index
    %swap3A_224 = arith.constant 112 : index
    %swap3A_225 = tpu.vector_load %arg9[%swap3A_222, %swap3A_223, %swap3A_224] {strides = array<i32>} : memref<1x4x128xi32, #tpu.memory_space<vmem>>, vector<16xi32>,
    tpu.vector_store %arg9[%swap3A_222, %swap3A_223, %swap3A_224], %add3A_219 {strides = array<i32>} : memref<1x4x128xi32, #tpu.memory_space<vmem>>, vector<16xi32>,
    %dma_start3A_226 = arith.constant 0 : i32
    %dma_start3A_227 = arith.constant 1 : i32
    %dma_start3A_228 = arith.constant 0 : i32
    %dma_start3A_229 = arith.constant 1 : i32
    %dma_start3A_230 = arith.constant 0 : i32
    %dma_start3A_231 = tpu.memref_slice %arg10[%dma_start3A_228, %dma_start3A_229, %dma_start3A_230] : memref<1x4x128xf32, #tpu.memory_space<vmem>> -> memref<1x1x128xf32, #tpu.memory_space<vmem>>
    %dma_start3A_232 = tpu.memref_squeeze %dma_start3A_231 : memref<1x1x128xf32, #tpu.memory_space<vmem>> -> memref<128xf32, #tpu.memory_space<vmem>>
    %dma_start3A_233 = arith.constant 0 : i32
    %dma_start3A_234 = tpu.memref_slice %arg9[%dma_start3A_226, %dma_start3A_227, %dma_start3A_233] : memref<1x4x128xi32, #tpu.memory_space<vmem>> -> memref<1x1x128xi32, #tpu.memory_space<vmem>>
    %dma_start3A_235 = tpu.memref_squeeze %dma_start3A_234 : memref<1x1x128xi32, #tpu.memory_space<vmem>> -> memref<128xi32, #tpu.memory_space<vmem>>
    %dma_start3A_236 = arith.constant 0 : i32
    %dma_start3A_237 = tpu.memref_slice %arg3[%dma_start3A_236] : memref<100001xf32, #tpu.memory_space<hbm>> -> memref<100001xf32, #tpu.memory_space<hbm>>
    tpu.enqueue_indirect_dma source(%dma_start3A_237 : memref<100001xf32, #tpu.memory_space<hbm>>) target(%dma_start3A_232 : memref<128xf32, #tpu.memory_space<vmem>>) offsets(%dma_start3A_235 : memref<128xi32, #tpu.memory_space<vmem>>) semaphore(%arg13 : memref<!tpu.dma_semaphore, #tpu.memory_space<semaphore_mem>>)
    %add3A_238 = arith.constant 256 : i32
    %add3A_239 = arith.addi %mul3A_2, %add3A_238 : i32
    %get3A_240 = arith.index_cast %add3A_239 : i32 to index
    %get3A_241 = tpu.vector_load %arg7[%get3A_240] {strides = array<i32>} : memref<16384xi32, #tpu.memory_space<vmem>>, vector<16xi32>,
    %add3A_242 = arith.constant 0 : i32
    %add3A_243 = vector.broadcast %add3A_242 : i32 to vector<16xi32>
    %add3A_244 = arith.addi %get3A_241, %add3A_243 : vector<16xi32>
    %swap3A_245 = arith.constant 0 : i32
    %swap3A_246 = arith.constant 2 : i32
    %swap3A_247 = arith.index_cast %swap3A_245 : i32 to index
    %swap3A_248 = arith.index_cast %swap3A_246 : i32 to index
    %swap3A_249 = arith.constant 0 : index
    %swap3A_250 = tpu.vector_load %arg9[%swap3A_247, %swap3A_248, %swap3A_249] {strides = array<i32>} : memref<1x4x128xi32, #tpu.memory_space<vmem>>, vector<16xi32>,
    tpu.vector_store %arg9[%swap3A_247, %swap3A_248, %swap3A_249], %add3A_244 {strides = array<i32>} : memref<1x4x128xi32, #tpu.memory_space<vmem>>, vector<16xi32>,
    %add3A_251 = arith.constant 272 : i32
    %add3A_252 = arith.addi %mul3A_2, %add3A_251 : i32
    %get3A_253 = arith.index_cast %add3A_252 : i32 to index
    %get3A_254 = tpu.vector_load %arg7[%get3A_253] {strides = array<i32>} : memref<16384xi32, #tpu.memory_space<vmem>>, vector<16xi32>,
    %add3A_255 = arith.constant 0 : i32
    %add3A_256 = vector.broadcast %add3A_255 : i32 to vector<16xi32>
    %add3A_257 = arith.addi %get3A_254, %add3A_256 : vector<16xi32>
    %swap3A_258 = arith.constant 0 : i32
    %swap3A_259 = arith.constant 2 : i32
    %swap3A_260 = arith.index_cast %swap3A_258 : i32 to index
    %swap3A_261 = arith.index_cast %swap3A_259 : i32 to index
    %swap3A_262 = arith.constant 16 : index
    %swap3A_263 = tpu.vector_load %arg9[%swap3A_260, %swap3A_261, %swap3A_262] {strides = array<i32>} : memref<1x4x128xi32, #tpu.memory_space<vmem>>, vector<16xi32>,
    tpu.vector_store %arg9[%swap3A_260, %swap3A_261, %swap3A_262], %add3A_257 {strides = array<i32>} : memref<1x4x128xi32, #tpu.memory_space<vmem>>, vector<16xi32>,
    %add3A_264 = arith.constant 288 : i32
    %add3A_265 = arith.addi %mul3A_2, %add3A_264 : i32
    %get3A_266 = arith.index_cast %add3A_265 : i32 to index
    %get3A_267 = tpu.vector_load %arg7[%get3A_266] {strides = array<i32>} : memref<16384xi32, #tpu.memory_space<vmem>>, vector<16xi32>,
    %add3A_268 = arith.constant 0 : i32
    %add3A_269 = vector.broadcast %add3A_268 : i32 to vector<16xi32>
    %add3A_270 = arith.addi %get3A_267, %add3A_269 : vector<16xi32>
    %swap3A_271 = arith.constant 0 : i32
    %swap3A_272 = arith.constant 2 : i32
    %swap3A_273 = arith.index_cast %swap3A_271 : i32 to index
    %swap3A_274 = arith.index_cast %swap3A_272 : i32 to index
    %swap3A_275 = arith.constant 32 : index
    %swap3A_276 = tpu.vector_load %arg9[%swap3A_273, %swap3A_274, %swap3A_275] {strides = array<i32>} : memref<1x4x128xi32, #tpu.memory_space<vmem>>, vector<16xi32>,
    tpu.vector_store %arg9[%swap3A_273, %swap3A_274, %swap3A_275], %add3A_270 {strides = array<i32>} : memref<1x4x128xi32, #tpu.memory_space<vmem>>, vector<16xi32>,
    %add3A_277 = arith.constant 304 : i32
    %add3A_278 = arith.addi %mul3A_2, %add3A_277 : i32
    %get3A_279 = arith.index_cast %add3A_278 : i32 to index
    %get3A_280 = tpu.vector_load %arg7[%get3A_279] {strides = array<i32>} : memref<16384xi32, #tpu.memory_space<vmem>>, vector<16xi32>,
    %add3A_281 = arith.constant 0 : i32
    %add3A_282 = vector.broadcast %add3A_281 : i32 to vector<16xi32>
    %add3A_283 = arith.addi %get3A_280, %add3A_282 : vector<16xi32>
    %swap3A_284 = arith.constant 0 : i32
    %swap3A_285 = arith.constant 2 : i32
    %swap3A_286 = arith.index_cast %swap3A_284 : i32 to index
    %swap3A_287 = arith.index_cast %swap3A_285 : i32 to index
    %swap3A_288 = arith.constant 48 : index
    %swap3A_289 = tpu.vector_load %arg9[%swap3A_286, %swap3A_287, %swap3A_288] {strides = array<i32>} : memref<1x4x128xi32, #tpu.memory_space<vmem>>, vector<16xi32>,
    tpu.vector_store %arg9[%swap3A_286, %swap3A_287, %swap3A_288], %add3A_283 {strides = array<i32>} : memref<1x4x128xi32, #tpu.memory_space<vmem>>, vector<16xi32>,
    %add3A_290 = arith.constant 320 : i32
    %add3A_291 = arith.addi %mul3A_2, %add3A_290 : i32
    %get3A_292 = arith.index_cast %add3A_291 : i32 to index
    %get3A_293 = tpu.vector_load %arg7[%get3A_292] {strides = array<i32>} : memref<16384xi32, #tpu.memory_space<vmem>>, vector<16xi32>,
    %add3A_294 = arith.constant 0 : i32
    %add3A_295 = vector.broadcast %add3A_294 : i32 to vector<16xi32>
    %add3A_296 = arith.addi %get3A_293, %add3A_295 : vector<16xi32>
    %swap3A_297 = arith.constant 0 : i32
    %swap3A_298 = arith.constant 2 : i32
    %swap3A_299 = arith.index_cast %swap3A_297 : i32 to index
    %swap3A_300 = arith.index_cast %swap3A_298 : i32 to index
    %swap3A_301 = arith.constant 64 : index
    %swap3A_302 = tpu.vector_load %arg9[%swap3A_299, %swap3A_300, %swap3A_301] {strides = array<i32>} : memref<1x4x128xi32, #tpu.memory_space<vmem>>, vector<16xi32>,
    tpu.vector_store %arg9[%swap3A_299, %swap3A_300, %swap3A_301], %add3A_296 {strides = array<i32>} : memref<1x4x128xi32, #tpu.memory_space<vmem>>, vector<16xi32>,
    %add3A_303 = arith.constant 336 : i32
    %add3A_304 = arith.addi %mul3A_2, %add3A_303 : i32
    %get3A_305 = arith.index_cast %add3A_304 : i32 to index
    %get3A_306 = tpu.vector_load %arg7[%get3A_305] {strides = array<i32>} : memref<16384xi32, #tpu.memory_space<vmem>>, vector<16xi32>,
    %add3A_307 = arith.constant 0 : i32
    %add3A_308 = vector.broadcast %add3A_307 : i32 to vector<16xi32>
    %add3A_309 = arith.addi %get3A_306, %add3A_308 : vector<16xi32>
    %swap3A_310 = arith.constant 0 : i32
    %swap3A_311 = arith.constant 2 : i32
    %swap3A_312 = arith.index_cast %swap3A_310 : i32 to index
    %swap3A_313 = arith.index_cast %swap3A_311 : i32 to index
    %swap3A_314 = arith.constant 80 : index
    %swap3A_315 = tpu.vector_load %arg9[%swap3A_312, %swap3A_313, %swap3A_314] {strides = array<i32>} : memref<1x4x128xi32, #tpu.memory_space<vmem>>, vector<16xi32>,
    tpu.vector_store %arg9[%swap3A_312, %swap3A_313, %swap3A_314], %add3A_309 {strides = array<i32>} : memref<1x4x128xi32, #tpu.memory_space<vmem>>, vector<16xi32>,
    %add3A_316 = arith.constant 352 : i32
    %add3A_317 = arith.addi %mul3A_2, %add3A_316 : i32
    %get3A_318 = arith.index_cast %add3A_317 : i32 to index
    %get3A_319 = tpu.vector_load %arg7[%get3A_318] {strides = array<i32>} : memref<16384xi32, #tpu.memory_space<vmem>>, vector<16xi32>,
    %add3A_320 = arith.constant 0 : i32
    %add3A_321 = vector.broadcast %add3A_320 : i32 to vector<16xi32>
    %add3A_322 = arith.addi %get3A_319, %add3A_321 : vector<16xi32>
    %swap3A_323 = arith.constant 0 : i32
    %swap3A_324 = arith.constant 2 : i32
    %swap3A_325 = arith.index_cast %swap3A_323 : i32 to index
    %swap3A_326 = arith.index_cast %swap3A_324 : i32 to index
    %swap3A_327 = arith.constant 96 : index
    %swap3A_328 = tpu.vector_load %arg9[%swap3A_325, %swap3A_326, %swap3A_327] {strides = array<i32>} : memref<1x4x128xi32, #tpu.memory_space<vmem>>, vector<16xi32>,
    tpu.vector_store %arg9[%swap3A_325, %swap3A_326, %swap3A_327], %add3A_322 {strides = array<i32>} : memref<1x4x128xi32, #tpu.memory_space<vmem>>, vector<16xi32>,
    %add3A_329 = arith.constant 368 : i32
    %add3A_330 = arith.addi %mul3A_2, %add3A_329 : i32
    %get3A_331 = arith.index_cast %add3A_330 : i32 to index
    %get3A_332 = tpu.vector_load %arg7[%get3A_331] {strides = array<i32>} : memref<16384xi32, #tpu.memory_space<vmem>>, vector<16xi32>,
    %add3A_333 = arith.constant 0 : i32
    %add3A_334 = vector.broadcast %add3A_333 : i32 to vector<16xi32>
    %add3A_335 = arith.addi %get3A_332, %add3A_334 : vector<16xi32>
    %swap3A_336 = arith.constant 0 : i32
    %swap3A_337 = arith.constant 2 : i32
    %swap3A_338 = arith.index_cast %swap3A_336 : i32 to index
    %swap3A_339 = arith.index_cast %swap3A_337 : i32 to index
    %swap3A_340 = arith.constant 112 : index
    %swap3A_341 = tpu.vector_load %arg9[%swap3A_338, %swap3A_339, %swap3A_340] {strides = array<i32>} : memref<1x4x128xi32, #tpu.memory_space<vmem>>, vector<16xi32>,
    tpu.vector_store %arg9[%swap3A_338, %swap3A_339, %swap3A_340], %add3A_335 {strides = array<i32>} : memref<1x4x128xi32, #tpu.memory_space<vmem>>, vector<16xi32>,
    %dma_start3A_342 = arith.constant 0 : i32
    %dma_start3A_343 = arith.constant 2 : i32
    %dma_start3A_344 = arith.constant 0 : i32
    %dma_start3A_345 = arith.constant 2 : i32
    %dma_start3A_346 = arith.constant 0 : i32
    %dma_start3A_347 = tpu.memref_slice %arg10[%dma_start3A_344, %dma_start3A_345, %dma_start3A_346] : memref<1x4x128xf32, #tpu.memory_space<vmem>> -> memref<1x1x128xf32, #tpu.memory_space<vmem>>
    %dma_start3A_348 = tpu.memref_squeeze %dma_start3A_347 : memref<1x1x128xf32, #tpu.memory_space<vmem>> -> memref<128xf32, #tpu.memory_space<vmem>>
    %dma_start3A_349 = arith.constant 0 : i32
    %dma_start3A_350 = tpu.memref_slice %arg9[%dma_start3A_342, %dma_start3A_343, %dma_start3A_349] : memref<1x4x128xi32, #tpu.memory_space<vmem>> -> memref<1x1x128xi32, #tpu.memory_space<vmem>>
    %dma_start3A_351 = tpu.memref_squeeze %dma_start3A_350 : memref<1x1x128xi32, #tpu.memory_space<vmem>> -> memref<128xi32, #tpu.memory_space<vmem>>
    %dma_start3A_352 = arith.constant 0 : i32
    %dma_start3A_353 = tpu.memref_slice %arg3[%dma_start3A_352] : memref<100001xf32, #tpu.memory_space<hbm>> -> memref<100001xf32, #tpu.memory_space<hbm>>
    tpu.enqueue_indirect_dma source(%dma_start3A_353 : memref<100001xf32, #tpu.memory_space<hbm>>) target(%dma_start3A_348 : memref<128xf32, #tpu.memory_space<vmem>>) offsets(%dma_start3A_351 : memref<128xi32, #tpu.memory_space<vmem>>) semaphore(%arg13 : memref<!tpu.dma_semaphore, #tpu.memory_space<semaphore_mem>>)
    %add3A_354 = arith.constant 384 : i32
    %add3A_355 = arith.addi %mul3A_2, %add3A_354 : i32
    %get3A_356 = arith.index_cast %add3A_355 : i32 to index
    %get3A_357 = tpu.vector_load %arg7[%get3A_356] {strides = array<i32>} : memref<16384xi32, #tpu.memory_space<vmem>>, vector<16xi32>,
    %add3A_358 = arith.constant 0 : i32
    %add3A_359 = vector.broadcast %add3A_358 : i32 to vector<16xi32>
    %add3A_360 = arith.addi %get3A_357, %add3A_359 : vector<16xi32>
    %swap3A_361 = arith.constant 0 : i32
    %swap3A_362 = arith.constant 3 : i32
    %swap3A_363 = arith.index_cast %swap3A_361 : i32 to index
    %swap3A_364 = arith.index_cast %swap3A_362 : i32 to index
    %swap3A_365 = arith.constant 0 : index
    %swap3A_366 = tpu.vector_load %arg9[%swap3A_363, %swap3A_364, %swap3A_365] {strides = array<i32>} : memref<1x4x128xi32, #tpu.memory_space<vmem>>, vector<16xi32>,
    tpu.vector_store %arg9[%swap3A_363, %swap3A_364, %swap3A_365], %add3A_360 {strides = array<i32>} : memref<1x4x128xi32, #tpu.memory_space<vmem>>, vector<16xi32>,
    %add3A_367 = arith.constant 400 : i32
    %add3A_368 = arith.addi %mul3A_2, %add3A_367 : i32
    %get3A_369 = arith.index_cast %add3A_368 : i32 to index
    %get3A_370 = tpu.vector_load %arg7[%get3A_369] {strides = array<i32>} : memref<16384xi32, #tpu.memory_space<vmem>>, vector<16xi32>,
    %add3A_371 = arith.constant 0 : i32
    %add3A_372 = vector.broadcast %add3A_371 : i32 to vector<16xi32>
    %add3A_373 = arith.addi %get3A_370, %add3A_372 : vector<16xi32>
    %swap3A_374 = arith.constant 0 : i32
    %swap3A_375 = arith.constant 3 : i32
    %swap3A_376 = arith.index_cast %swap3A_374 : i32 to index
    %swap3A_377 = arith.index_cast %swap3A_375 : i32 to index
    %swap3A_378 = arith.constant 16 : index
    %swap3A_379 = tpu.vector_load %arg9[%swap3A_376, %swap3A_377, %swap3A_378] {strides = array<i32>} : memref<1x4x128xi32, #tpu.memory_space<vmem>>, vector<16xi32>,
    tpu.vector_store %arg9[%swap3A_376, %swap3A_377, %swap3A_378], %add3A_373 {strides = array<i32>} : memref<1x4x128xi32, #tpu.memory_space<vmem>>, vector<16xi32>,
    %add3A_380 = arith.constant 416 : i32
    %add3A_381 = arith.addi %mul3A_2, %add3A_380 : i32
    %get3A_382 = arith.index_cast %add3A_381 : i32 to index
    %get3A_383 = tpu.vector_load %arg7[%get3A_382] {strides = array<i32>} : memref<16384xi32, #tpu.memory_space<vmem>>, vector<16xi32>,
    %add3A_384 = arith.constant 0 : i32
    %add3A_385 = vector.broadcast %add3A_384 : i32 to vector<16xi32>
    %add3A_386 = arith.addi %get3A_383, %add3A_385 : vector<16xi32>
    %swap3A_387 = arith.constant 0 : i32
    %swap3A_388 = arith.constant 3 : i32
    %swap3A_389 = arith.index_cast %swap3A_387 : i32 to index
    %swap3A_390 = arith.index_cast %swap3A_388 : i32 to index
    %swap3A_391 = arith.constant 32 : index
    %swap3A_392 = tpu.vector_load %arg9[%swap3A_389, %swap3A_390, %swap3A_391] {strides = array<i32>} : memref<1x4x128xi32, #tpu.memory_space<vmem>>, vector<16xi32>,
    tpu.vector_store %arg9[%swap3A_389, %swap3A_390, %swap3A_391], %add3A_386 {strides = array<i32>} : memref<1x4x128xi32, #tpu.memory_space<vmem>>, vector<16xi32>,
    %add3A_393 = arith.constant 432 : i32
    %add3A_394 = arith.addi %mul3A_2, %add3A_393 : i32
    %get3A_395 = arith.index_cast %add3A_394 : i32 to index
    %get3A_396 = tpu.vector_load %arg7[%get3A_395] {strides = array<i32>} : memref<16384xi32, #tpu.memory_space<vmem>>, vector<16xi32>,
    %add3A_397 = arith.constant 0 : i32
    %add3A_398 = vector.broadcast %add3A_397 : i32 to vector<16xi32>
    %add3A_399 = arith.addi %get3A_396, %add3A_398 : vector<16xi32>
    %swap3A_400 = arith.constant 0 : i32
    %swap3A_401 = arith.constant 3 : i32
    %swap3A_402 = arith.index_cast %swap3A_400 : i32 to index
    %swap3A_403 = arith.index_cast %swap3A_401 : i32 to index
    %swap3A_404 = arith.constant 48 : index
    %swap3A_405 = tpu.vector_load %arg9[%swap3A_402, %swap3A_403, %swap3A_404] {strides = array<i32>} : memref<1x4x128xi32, #tpu.memory_space<vmem>>, vector<16xi32>,
    tpu.vector_store %arg9[%swap3A_402, %swap3A_403, %swap3A_404], %add3A_399 {strides = array<i32>} : memref<1x4x128xi32, #tpu.memory_space<vmem>>, vector<16xi32>,
    %add3A_406 = arith.constant 448 : i32
    %add3A_407 = arith.addi %mul3A_2, %add3A_406 : i32
    %get3A_408 = arith.index_cast %add3A_407 : i32 to index
    %get3A_409 = tpu.vector_load %arg7[%get3A_408] {strides = array<i32>} : memref<16384xi32, #tpu.memory_space<vmem>>, vector<16xi32>,
    %add3A_410 = arith.constant 0 : i32
    %add3A_411 = vector.broadcast %add3A_410 : i32 to vector<16xi32>
    %add3A_412 = arith.addi %get3A_409, %add3A_411 : vector<16xi32>
    %swap3A_413 = arith.constant 0 : i32
    %swap3A_414 = arith.constant 3 : i32
    %swap3A_415 = arith.index_cast %swap3A_413 : i32 to index
    %swap3A_416 = arith.index_cast %swap3A_414 : i32 to index
    %swap3A_417 = arith.constant 64 : index
    %swap3A_418 = tpu.vector_load %arg9[%swap3A_415, %swap3A_416, %swap3A_417] {strides = array<i32>} : memref<1x4x128xi32, #tpu.memory_space<vmem>>, vector<16xi32>,
    tpu.vector_store %arg9[%swap3A_415, %swap3A_416, %swap3A_417], %add3A_412 {strides = array<i32>} : memref<1x4x128xi32, #tpu.memory_space<vmem>>, vector<16xi32>,
    %add3A_419 = arith.constant 464 : i32
    %add3A_420 = arith.addi %mul3A_2, %add3A_419 : i32
    %get3A_421 = arith.index_cast %add3A_420 : i32 to index
    %get3A_422 = tpu.vector_load %arg7[%get3A_421] {strides = array<i32>} : memref<16384xi32, #tpu.memory_space<vmem>>, vector<16xi32>,
    %add3A_423 = arith.constant 0 : i32
    %add3A_424 = vector.broadcast %add3A_423 : i32 to vector<16xi32>
    %add3A_425 = arith.addi %get3A_422, %add3A_424 : vector<16xi32>
    %swap3A_426 = arith.constant 0 : i32
    %swap3A_427 = arith.constant 3 : i32
    %swap3A_428 = arith.index_cast %swap3A_426 : i32 to index
    %swap3A_429 = arith.index_cast %swap3A_427 : i32 to index
    %swap3A_430 = arith.constant 80 : index
    %swap3A_431 = tpu.vector_load %arg9[%swap3A_428, %swap3A_429, %swap3A_430] {strides = array<i32>} : memref<1x4x128xi32, #tpu.memory_space<vmem>>, vector<16xi32>,
    tpu.vector_store %arg9[%swap3A_428, %swap3A_429, %swap3A_430], %add3A_425 {strides = array<i32>} : memref<1x4x128xi32, #tpu.memory_space<vmem>>, vector<16xi32>,
    %add3A_432 = arith.constant 480 : i32
    %add3A_433 = arith.addi %mul3A_2, %add3A_432 : i32
    %get3A_434 = arith.index_cast %add3A_433 : i32 to index
    %get3A_435 = tpu.vector_load %arg7[%get3A_434] {strides = array<i32>} : memref<16384xi32, #tpu.memory_space<vmem>>, vector<16xi32>,
    %add3A_436 = arith.constant 0 : i32
    %add3A_437 = vector.broadcast %add3A_436 : i32 to vector<16xi32>
    %add3A_438 = arith.addi %get3A_435, %add3A_437 : vector<16xi32>
    %swap3A_439 = arith.constant 0 : i32
    %swap3A_440 = arith.constant 3 : i32
    %swap3A_441 = arith.index_cast %swap3A_439 : i32 to index
    %swap3A_442 = arith.index_cast %swap3A_440 : i32 to index
    %swap3A_443 = arith.constant 96 : index
    %swap3A_444 = tpu.vector_load %arg9[%swap3A_441, %swap3A_442, %swap3A_443] {strides = array<i32>} : memref<1x4x128xi32, #tpu.memory_space<vmem>>, vector<16xi32>,
    tpu.vector_store %arg9[%swap3A_441, %swap3A_442, %swap3A_443], %add3A_438 {strides = array<i32>} : memref<1x4x128xi32, #tpu.memory_space<vmem>>, vector<16xi32>,
    %add3A_445 = arith.constant 496 : i32
    %add3A_446 = arith.addi %mul3A_2, %add3A_445 : i32
    %get3A_447 = arith.index_cast %add3A_446 : i32 to index
    %get3A_448 = tpu.vector_load %arg7[%get3A_447] {strides = array<i32>} : memref<16384xi32, #tpu.memory_space<vmem>>, vector<16xi32>,
    %add3A_449 = arith.constant 0 : i32
    %add3A_450 = vector.broadcast %add3A_449 : i32 to vector<16xi32>
    %add3A_451 = arith.addi %get3A_448, %add3A_450 : vector<16xi32>
    %swap3A_452 = arith.constant 0 : i32
    %swap3A_453 = arith.constant 3 : i32
    %swap3A_454 = arith.index_cast %swap3A_452 : i32 to index
    %swap3A_455 = arith.index_cast %swap3A_453 : i32 to index
    %swap3A_456 = arith.constant 112 : index
    %swap3A_457 = tpu.vector_load %arg9[%swap3A_454, %swap3A_455, %swap3A_456] {strides = array<i32>} : memref<1x4x128xi32, #tpu.memory_space<vmem>>, vector<16xi32>,
    tpu.vector_store %arg9[%swap3A_454, %swap3A_455, %swap3A_456], %add3A_451 {strides = array<i32>} : memref<1x4x128xi32, #tpu.memory_space<vmem>>, vector<16xi32>,
    %dma_start3A_458 = arith.constant 0 : i32
    %dma_start3A_459 = arith.constant 3 : i32
    %dma_start3A_460 = arith.constant 0 : i32
    %dma_start3A_461 = arith.constant 3 : i32
    %dma_start3A_462 = arith.constant 0 : i32
    %dma_start3A_463 = tpu.memref_slice %arg10[%dma_start3A_460, %dma_start3A_461, %dma_start3A_462] : memref<1x4x128xf32, #tpu.memory_space<vmem>> -> memref<1x1x128xf32, #tpu.memory_space<vmem>>
    %dma_start3A_464 = tpu.memref_squeeze %dma_start3A_463 : memref<1x1x128xf32, #tpu.memory_space<vmem>> -> memref<128xf32, #tpu.memory_space<vmem>>
    %dma_start3A_465 = arith.constant 0 : i32
    %dma_start3A_466 = tpu.memref_slice %arg9[%dma_start3A_458, %dma_start3A_459, %dma_start3A_465] : memref<1x4x128xi32, #tpu.memory_space<vmem>> -> memref<1x1x128xi32, #tpu.memory_space<vmem>>
    %dma_start3A_467 = tpu.memref_squeeze %dma_start3A_466 : memref<1x1x128xi32, #tpu.memory_space<vmem>> -> memref<128xi32, #tpu.memory_space<vmem>>
    %dma_start3A_468 = arith.constant 0 : i32
    %dma_start3A_469 = tpu.memref_slice %arg3[%dma_start3A_468] : memref<100001xf32, #tpu.memory_space<hbm>> -> memref<100001xf32, #tpu.memory_space<hbm>>
    tpu.enqueue_indirect_dma source(%dma_start3A_469 : memref<100001xf32, #tpu.memory_space<hbm>>) target(%dma_start3A_464 : memref<128xf32, #tpu.memory_space<vmem>>) offsets(%dma_start3A_467 : memref<128xi32, #tpu.memory_space<vmem>>) semaphore(%arg13 : memref<!tpu.dma_semaphore, #tpu.memory_space<semaphore_mem>>)
    %dma_wait3A = arith.constant 0 : i32
    %dma_wait3A_470 = tpu.memref_slice %arg2[%add3A, %dma_wait3A] : memref<65x100001xf32, #tpu.memory_space<hbm>> -> memref<1x100001xf32, #tpu.memory_space<hbm>>
    %dma_wait3A_471 = tpu.memref_squeeze %dma_wait3A_470 : memref<1x100001xf32, #tpu.memory_space<hbm>> -> memref<100001xf32, #tpu.memory_space<hbm>>
    %dma_wait3A_472 = arith.constant 0 : i32
    %dma_wait3A_473 = tpu.memref_slice %arg2[%add3A, %dma_wait3A_472] : memref<65x100001xf32, #tpu.memory_space<hbm>> -> memref<1x100001xf32, #tpu.memory_space<hbm>>
    %dma_wait3A_474 = tpu.memref_squeeze %dma_wait3A_473 : memref<1x100001xf32, #tpu.memory_space<hbm>> -> memref<100001xf32, #tpu.memory_space<hbm>>
    tpu.wait_dma2 semaphore(%arg14 : memref<!tpu.dma_semaphore, #tpu.memory_space<semaphore_mem>>) src(%dma_wait3A_474 : memref<100001xf32, #tpu.memory_space<hbm>>) dst(%arg6 : memref<100001xf32, #tpu.memory_space<vmem>>)
    %parallel_loop3A = arith.constant 0 : i32
    %parallel_loop3A_475 = arith.constant 4096 : i32
    %parallel_loop3A_476 = arith.constant 16 : i32
    scf.for %parallel_loop3A_795 = %parallel_loop3A to %parallel_loop3A_475 step %parallel_loop3A_476  : i32 {
      %parallel_loop3A_796 = arith.constant 0 : i32
      %parallel_loop3A_797 = arith.addi %parallel_loop3A_796, %parallel_loop3A_795 : i32
      %parallel_loop3A_798 = arith.index_cast %parallel_loop3A_797 : i32 to index
      %parallel_loop3A_799 = tpu.vector_load %arg7[%parallel_loop3A_798] {strides = array<i32>} : memref<16384xi32, #tpu.memory_space<vmem>>, vector<16xi32>,
      %parallel_loop3A_800 = tpu.vector_load_idx %arg6[%parallel_loop3A_799] : memref<100001xf32, #tpu.memory_space<vmem>>[vector<16xi32>], vector<16xf32>,
      %parallel_loop3A_801 = arith.constant 0 : i32
      %parallel_loop3A_802 = arith.index_cast %parallel_loop3A_801 : i32 to index
      %parallel_loop3A_803 = arith.index_cast %parallel_loop3A_795 : i32 to index
      %parallel_loop3A_804 = tpu.vector_load %arg8[%parallel_loop3A_802, %parallel_loop3A_803] {strides = array<i32>} : memref<2x4096xf32, #tpu.memory_space<vmem>>, vector<16xf32>,
      tpu.vector_store %arg8[%parallel_loop3A_802, %parallel_loop3A_803], %parallel_loop3A_800 {strides = array<i32>} : memref<2x4096xf32, #tpu.memory_space<vmem>>, vector<16xf32>,
    } {sc.loop_unroll_factor = 8 : i64, sc.parallel_access}
    %add3A_477 = arith.constant 0 : i32
    %add3A_478 = arith.addi %add3A_477, %add3A : i32
    %dma_start3A_479 = arith.constant 0 : i32
    %dma_start3A_480 = arith.constant 0 : i32
    %dma_start3A_481 = tpu.memref_slice %arg8[%dma_start3A_479, %dma_start3A_480] : memref<2x4096xf32, #tpu.memory_space<vmem>> -> memref<1x4096xf32, #tpu.memory_space<vmem>>
    %dma_start3A_482 = tpu.memref_squeeze %dma_start3A_481 : memref<1x4096xf32, #tpu.memory_space<vmem>> -> memref<4096xf32, #tpu.memory_space<vmem>>
    %dma_start3A_483 = arith.constant 0 : i32
    %dma_start3A_484 = tpu.memref_slice %arg5[%add3A_478, %dma_start3A_483] : memref<65x16384xf32, #tpu.memory_space<hbm>> -> memref<1x4096xf32, #tpu.memory_space<hbm>>
    %dma_start3A_485 = tpu.memref_squeeze %dma_start3A_484 : memref<1x4096xf32, #tpu.memory_space<hbm>> -> memref<4096xf32, #tpu.memory_space<hbm>>
    %dma_start3A_486 = arith.constant 0 : i32
    %dma_start3A_487 = tpu.memref_slice %arg5[%add3A_478, %dma_start3A_486] : memref<65x16384xf32, #tpu.memory_space<hbm>> -> memref<1x4096xf32, #tpu.memory_space<hbm>>
    %dma_start3A_488 = tpu.memref_squeeze %dma_start3A_487 : memref<1x4096xf32, #tpu.memory_space<hbm>> -> memref<4096xf32, #tpu.memory_space<hbm>>
    %dma_start3A_489 = arith.constant 0 : i32
    %dma_start3A_490 = tpu.memref_slice %arg8[%dma_start3A_479, %dma_start3A_489] : memref<2x4096xf32, #tpu.memory_space<vmem>> -> memref<1x4096xf32, #tpu.memory_space<vmem>>
    %dma_start3A_491 = tpu.memref_squeeze %dma_start3A_490 : memref<1x4096xf32, #tpu.memory_space<vmem>> -> memref<4096xf32, #tpu.memory_space<vmem>>
    tpu.enqueue_dma source(%dma_start3A_491 : memref<4096xf32, #tpu.memory_space<vmem>>) target(%dma_start3A_488 : memref<4096xf32, #tpu.memory_space<hbm>>) target_semaphore(%arg11 : memref<!tpu.dma_semaphore, #tpu.memory_space<semaphore_mem>>)
    %parallel_loop3A_492 = arith.constant 0 : i32
    %parallel_loop3A_493 = arith.constant 4096 : i32
    %parallel_loop3A_494 = arith.constant 16 : i32
    scf.for %parallel_loop3A_795 = %parallel_loop3A_492 to %parallel_loop3A_493 step %parallel_loop3A_494  : i32 {
      %parallel_loop3A_796 = arith.constant 4096 : i32
      %parallel_loop3A_797 = arith.addi %parallel_loop3A_796, %parallel_loop3A_795 : i32
      %parallel_loop3A_798 = arith.index_cast %parallel_loop3A_797 : i32 to index
      %parallel_loop3A_799 = tpu.vector_load %arg7[%parallel_loop3A_798] {strides = array<i32>} : memref<16384xi32, #tpu.memory_space<vmem>>, vector<16xi32>,
      %parallel_loop3A_800 = tpu.vector_load_idx %arg6[%parallel_loop3A_799] : memref<100001xf32, #tpu.memory_space<vmem>>[vector<16xi32>], vector<16xf32>,
      %parallel_loop3A_801 = arith.constant 1 : i32
      %parallel_loop3A_802 = arith.index_cast %parallel_loop3A_801 : i32 to index
      %parallel_loop3A_803 = arith.index_cast %parallel_loop3A_795 : i32 to index
      %parallel_loop3A_804 = tpu.vector_load %arg8[%parallel_loop3A_802, %parallel_loop3A_803] {strides = array<i32>} : memref<2x4096xf32, #tpu.memory_space<vmem>>, vector<16xf32>,
      tpu.vector_store %arg8[%parallel_loop3A_802, %parallel_loop3A_803], %parallel_loop3A_800 {strides = array<i32>} : memref<2x4096xf32, #tpu.memory_space<vmem>>, vector<16xf32>,
    } {sc.loop_unroll_factor = 8 : i64, sc.parallel_access}
    %add3A_495 = arith.constant 0 : i32
    %add3A_496 = arith.addi %add3A_495, %add3A : i32
    %dma_start3A_497 = arith.constant 1 : i32
    %dma_start3A_498 = arith.constant 0 : i32
    %dma_start3A_499 = tpu.memref_slice %arg8[%dma_start3A_497, %dma_start3A_498] : memref<2x4096xf32, #tpu.memory_space<vmem>> -> memref<1x4096xf32, #tpu.memory_space<vmem>>
    %dma_start3A_500 = tpu.memref_squeeze %dma_start3A_499 : memref<1x4096xf32, #tpu.memory_space<vmem>> -> memref<4096xf32, #tpu.memory_space<vmem>>
    %dma_start3A_501 = arith.constant 4096 : i32
    %dma_start3A_502 = tpu.memref_slice %arg5[%add3A_496, %dma_start3A_501] : memref<65x16384xf32, #tpu.memory_space<hbm>> -> memref<1x4096xf32, #tpu.memory_space<hbm>>
    %dma_start3A_503 = tpu.memref_squeeze %dma_start3A_502 : memref<1x4096xf32, #tpu.memory_space<hbm>> -> memref<4096xf32, #tpu.memory_space<hbm>>
    %dma_start3A_504 = arith.constant 4096 : i32
    %dma_start3A_505 = tpu.memref_slice %arg5[%add3A_496, %dma_start3A_504] : memref<65x16384xf32, #tpu.memory_space<hbm>> -> memref<1x4096xf32, #tpu.memory_space<hbm>>
    %dma_start3A_506 = tpu.memref_squeeze %dma_start3A_505 : memref<1x4096xf32, #tpu.memory_space<hbm>> -> memref<4096xf32, #tpu.memory_space<hbm>>
    %dma_start3A_507 = arith.constant 0 : i32
    %dma_start3A_508 = tpu.memref_slice %arg8[%dma_start3A_497, %dma_start3A_507] : memref<2x4096xf32, #tpu.memory_space<vmem>> -> memref<1x4096xf32, #tpu.memory_space<vmem>>
    %dma_start3A_509 = tpu.memref_squeeze %dma_start3A_508 : memref<1x4096xf32, #tpu.memory_space<vmem>> -> memref<4096xf32, #tpu.memory_space<vmem>>
    tpu.enqueue_dma source(%dma_start3A_509 : memref<4096xf32, #tpu.memory_space<vmem>>) target(%dma_start3A_506 : memref<4096xf32, #tpu.memory_space<hbm>>) target_semaphore(%arg12 : memref<!tpu.dma_semaphore, #tpu.memory_space<semaphore_mem>>)
    %dma_wait3A_510 = arith.constant 0 : i32
    %dma_wait3A_511 = arith.constant 0 : i32
    %dma_wait3A_512 = tpu.memref_slice %arg8[%dma_wait3A_510, %dma_wait3A_511] : memref<2x4096xf32, #tpu.memory_space<vmem>> -> memref<1x4096xf32, #tpu.memory_space<vmem>>
    %dma_wait3A_513 = tpu.memref_squeeze %dma_wait3A_512 : memref<1x4096xf32, #tpu.memory_space<vmem>> -> memref<4096xf32, #tpu.memory_space<vmem>>
    %dma_wait3A_514 = arith.constant 0 : i32
    %dma_wait3A_515 = tpu.memref_slice %arg5[%add3A_478, %dma_wait3A_514] : memref<65x16384xf32, #tpu.memory_space<hbm>> -> memref<1x4096xf32, #tpu.memory_space<hbm>>
    %dma_wait3A_516 = tpu.memref_squeeze %dma_wait3A_515 : memref<1x4096xf32, #tpu.memory_space<hbm>> -> memref<4096xf32, #tpu.memory_space<hbm>>
    %dma_wait3A_517 = arith.constant 0 : i32
    %dma_wait3A_518 = tpu.memref_slice %arg5[%add3A_478, %dma_wait3A_517] : memref<65x16384xf32, #tpu.memory_space<hbm>> -> memref<1x4096xf32, #tpu.memory_space<hbm>>
    %dma_wait3A_519 = tpu.memref_squeeze %dma_wait3A_518 : memref<1x4096xf32, #tpu.memory_space<hbm>> -> memref<4096xf32, #tpu.memory_space<hbm>>
    %dma_wait3A_520 = arith.constant 0 : i32
    %dma_wait3A_521 = tpu.memref_slice %arg8[%dma_wait3A_510, %dma_wait3A_520] : memref<2x4096xf32, #tpu.memory_space<vmem>> -> memref<1x4096xf32, #tpu.memory_space<vmem>>
    %dma_wait3A_522 = tpu.memref_squeeze %dma_wait3A_521 : memref<1x4096xf32, #tpu.memory_space<vmem>> -> memref<4096xf32, #tpu.memory_space<vmem>>
    tpu.wait_dma2 semaphore(%arg11 : memref<!tpu.dma_semaphore, #tpu.memory_space<semaphore_mem>>) src(%dma_wait3A_522 : memref<4096xf32, #tpu.memory_space<vmem>>) dst(%dma_wait3A_519 : memref<4096xf32, #tpu.memory_space<hbm>>)
    %parallel_loop3A_523 = arith.constant 0 : i32
    %parallel_loop3A_524 = arith.constant 4096 : i32
    %parallel_loop3A_525 = arith.constant 16 : i32
    scf.for %parallel_loop3A_795 = %parallel_loop3A_523 to %parallel_loop3A_524 step %parallel_loop3A_525  : i32 {
      %parallel_loop3A_796 = arith.constant 8192 : i32
      %parallel_loop3A_797 = arith.addi %parallel_loop3A_796, %parallel_loop3A_795 : i32
      %parallel_loop3A_798 = arith.index_cast %parallel_loop3A_797 : i32 to index
      %parallel_loop3A_799 = tpu.vector_load %arg7[%parallel_loop3A_798] {strides = array<i32>} : memref<16384xi32, #tpu.memory_space<vmem>>, vector<16xi32>,
      %parallel_loop3A_800 = tpu.vector_load_idx %arg6[%parallel_loop3A_799] : memref<100001xf32, #tpu.memory_space<vmem>>[vector<16xi32>], vector<16xf32>,
      %parallel_loop3A_801 = arith.constant 0 : i32
      %parallel_loop3A_802 = arith.index_cast %parallel_loop3A_801 : i32 to index
      %parallel_loop3A_803 = arith.index_cast %parallel_loop3A_795 : i32 to index
      %parallel_loop3A_804 = tpu.vector_load %arg8[%parallel_loop3A_802, %parallel_loop3A_803] {strides = array<i32>} : memref<2x4096xf32, #tpu.memory_space<vmem>>, vector<16xf32>,
      tpu.vector_store %arg8[%parallel_loop3A_802, %parallel_loop3A_803], %parallel_loop3A_800 {strides = array<i32>} : memref<2x4096xf32, #tpu.memory_space<vmem>>, vector<16xf32>,
    } {sc.loop_unroll_factor = 8 : i64, sc.parallel_access}
    %add3A_526 = arith.constant 0 : i32
    %add3A_527 = arith.addi %add3A_526, %add3A : i32
    %dma_start3A_528 = arith.constant 0 : i32
    %dma_start3A_529 = arith.constant 0 : i32
    %dma_start3A_530 = tpu.memref_slice %arg8[%dma_start3A_528, %dma_start3A_529] : memref<2x4096xf32, #tpu.memory_space<vmem>> -> memref<1x4096xf32, #tpu.memory_space<vmem>>
    %dma_start3A_531 = tpu.memref_squeeze %dma_start3A_530 : memref<1x4096xf32, #tpu.memory_space<vmem>> -> memref<4096xf32, #tpu.memory_space<vmem>>
    %dma_start3A_532 = arith.constant 8192 : i32
    %dma_start3A_533 = tpu.memref_slice %arg5[%add3A_527, %dma_start3A_532] : memref<65x16384xf32, #tpu.memory_space<hbm>> -> memref<1x4096xf32, #tpu.memory_space<hbm>>
    %dma_start3A_534 = tpu.memref_squeeze %dma_start3A_533 : memref<1x4096xf32, #tpu.memory_space<hbm>> -> memref<4096xf32, #tpu.memory_space<hbm>>
    %dma_start3A_535 = arith.constant 8192 : i32
    %dma_start3A_536 = tpu.memref_slice %arg5[%add3A_527, %dma_start3A_535] : memref<65x16384xf32, #tpu.memory_space<hbm>> -> memref<1x4096xf32, #tpu.memory_space<hbm>>
    %dma_start3A_537 = tpu.memref_squeeze %dma_start3A_536 : memref<1x4096xf32, #tpu.memory_space<hbm>> -> memref<4096xf32, #tpu.memory_space<hbm>>
    %dma_start3A_538 = arith.constant 0 : i32
    %dma_start3A_539 = tpu.memref_slice %arg8[%dma_start3A_528, %dma_start3A_538] : memref<2x4096xf32, #tpu.memory_space<vmem>> -> memref<1x4096xf32, #tpu.memory_space<vmem>>
    %dma_start3A_540 = tpu.memref_squeeze %dma_start3A_539 : memref<1x4096xf32, #tpu.memory_space<vmem>> -> memref<4096xf32, #tpu.memory_space<vmem>>
    tpu.enqueue_dma source(%dma_start3A_540 : memref<4096xf32, #tpu.memory_space<vmem>>) target(%dma_start3A_537 : memref<4096xf32, #tpu.memory_space<hbm>>) target_semaphore(%arg11 : memref<!tpu.dma_semaphore, #tpu.memory_space<semaphore_mem>>)
    %dma_wait3A_541 = arith.constant 1 : i32
    %dma_wait3A_542 = arith.constant 0 : i32
    %dma_wait3A_543 = tpu.memref_slice %arg8[%dma_wait3A_541, %dma_wait3A_542] : memref<2x4096xf32, #tpu.memory_space<vmem>> -> memref<1x4096xf32, #tpu.memory_space<vmem>>
    %dma_wait3A_544 = tpu.memref_squeeze %dma_wait3A_543 : memref<1x4096xf32, #tpu.memory_space<vmem>> -> memref<4096xf32, #tpu.memory_space<vmem>>
    %dma_wait3A_545 = arith.constant 4096 : i32
    %dma_wait3A_546 = tpu.memref_slice %arg5[%add3A_496, %dma_wait3A_545] : memref<65x16384xf32, #tpu.memory_space<hbm>> -> memref<1x4096xf32, #tpu.memory_space<hbm>>
    %dma_wait3A_547 = tpu.memref_squeeze %dma_wait3A_546 : memref<1x4096xf32, #tpu.memory_space<hbm>> -> memref<4096xf32, #tpu.memory_space<hbm>>
    %dma_wait3A_548 = arith.constant 4096 : i32
    %dma_wait3A_549 = tpu.memref_slice %arg5[%add3A_496, %dma_wait3A_548] : memref<65x16384xf32, #tpu.memory_space<hbm>> -> memref<1x4096xf32, #tpu.memory_space<hbm>>
    %dma_wait3A_550 = tpu.memref_squeeze %dma_wait3A_549 : memref<1x4096xf32, #tpu.memory_space<hbm>> -> memref<4096xf32, #tpu.memory_space<hbm>>
    %dma_wait3A_551 = arith.constant 0 : i32
    %dma_wait3A_552 = tpu.memref_slice %arg8[%dma_wait3A_541, %dma_wait3A_551] : memref<2x4096xf32, #tpu.memory_space<vmem>> -> memref<1x4096xf32, #tpu.memory_space<vmem>>
    %dma_wait3A_553 = tpu.memref_squeeze %dma_wait3A_552 : memref<1x4096xf32, #tpu.memory_space<vmem>> -> memref<4096xf32, #tpu.memory_space<vmem>>
    tpu.wait_dma2 semaphore(%arg12 : memref<!tpu.dma_semaphore, #tpu.memory_space<semaphore_mem>>) src(%dma_wait3A_553 : memref<4096xf32, #tpu.memory_space<vmem>>) dst(%dma_wait3A_550 : memref<4096xf32, #tpu.memory_space<hbm>>)
    %parallel_loop3A_554 = arith.constant 0 : i32
    %parallel_loop3A_555 = arith.constant 4096 : i32
    %parallel_loop3A_556 = arith.constant 16 : i32
    scf.for %parallel_loop3A_795 = %parallel_loop3A_554 to %parallel_loop3A_555 step %parallel_loop3A_556  : i32 {
      %parallel_loop3A_796 = arith.constant 12288 : i32
      %parallel_loop3A_797 = arith.addi %parallel_loop3A_796, %parallel_loop3A_795 : i32
      %parallel_loop3A_798 = arith.index_cast %parallel_loop3A_797 : i32 to index
      %parallel_loop3A_799 = tpu.vector_load %arg7[%parallel_loop3A_798] {strides = array<i32>} : memref<16384xi32, #tpu.memory_space<vmem>>, vector<16xi32>,
      %parallel_loop3A_800 = tpu.vector_load_idx %arg6[%parallel_loop3A_799] : memref<100001xf32, #tpu.memory_space<vmem>>[vector<16xi32>], vector<16xf32>,
      %parallel_loop3A_801 = arith.constant 1 : i32
      %parallel_loop3A_802 = arith.index_cast %parallel_loop3A_801 : i32 to index
      %parallel_loop3A_803 = arith.index_cast %parallel_loop3A_795 : i32 to index
      %parallel_loop3A_804 = tpu.vector_load %arg8[%parallel_loop3A_802, %parallel_loop3A_803] {strides = array<i32>} : memref<2x4096xf32, #tpu.memory_space<vmem>>, vector<16xf32>,
      tpu.vector_store %arg8[%parallel_loop3A_802, %parallel_loop3A_803], %parallel_loop3A_800 {strides = array<i32>} : memref<2x4096xf32, #tpu.memory_space<vmem>>, vector<16xf32>,
    } {sc.loop_unroll_factor = 8 : i64, sc.parallel_access}
    %add3A_557 = arith.constant 0 : i32
    %add3A_558 = arith.addi %add3A_557, %add3A : i32
    %dma_start3A_559 = arith.constant 1 : i32
    %dma_start3A_560 = arith.constant 0 : i32
    %dma_start3A_561 = tpu.memref_slice %arg8[%dma_start3A_559, %dma_start3A_560] : memref<2x4096xf32, #tpu.memory_space<vmem>> -> memref<1x4096xf32, #tpu.memory_space<vmem>>
    %dma_start3A_562 = tpu.memref_squeeze %dma_start3A_561 : memref<1x4096xf32, #tpu.memory_space<vmem>> -> memref<4096xf32, #tpu.memory_space<vmem>>
    %dma_start3A_563 = arith.constant 12288 : i32
    %dma_start3A_564 = tpu.memref_slice %arg5[%add3A_558, %dma_start3A_563] : memref<65x16384xf32, #tpu.memory_space<hbm>> -> memref<1x4096xf32, #tpu.memory_space<hbm>>
    %dma_start3A_565 = tpu.memref_squeeze %dma_start3A_564 : memref<1x4096xf32, #tpu.memory_space<hbm>> -> memref<4096xf32, #tpu.memory_space<hbm>>
    %dma_start3A_566 = arith.constant 12288 : i32
    %dma_start3A_567 = tpu.memref_slice %arg5[%add3A_558, %dma_start3A_566] : memref<65x16384xf32, #tpu.memory_space<hbm>> -> memref<1x4096xf32, #tpu.memory_space<hbm>>
    %dma_start3A_568 = tpu.memref_squeeze %dma_start3A_567 : memref<1x4096xf32, #tpu.memory_space<hbm>> -> memref<4096xf32, #tpu.memory_space<hbm>>
    %dma_start3A_569 = arith.constant 0 : i32
    %dma_start3A_570 = tpu.memref_slice %arg8[%dma_start3A_559, %dma_start3A_569] : memref<2x4096xf32, #tpu.memory_space<vmem>> -> memref<1x4096xf32, #tpu.memory_space<vmem>>
    %dma_start3A_571 = tpu.memref_squeeze %dma_start3A_570 : memref<1x4096xf32, #tpu.memory_space<vmem>> -> memref<4096xf32, #tpu.memory_space<vmem>>
    tpu.enqueue_dma source(%dma_start3A_571 : memref<4096xf32, #tpu.memory_space<vmem>>) target(%dma_start3A_568 : memref<4096xf32, #tpu.memory_space<hbm>>) target_semaphore(%arg12 : memref<!tpu.dma_semaphore, #tpu.memory_space<semaphore_mem>>)
    %add3A_572 = arith.constant 32 : i32
    %add3A_573 = arith.addi %add3A_572, %add3A : i32
    %dma_start3A_574 = arith.constant 0 : i32
    %dma_start3A_575 = tpu.memref_slice %arg2[%add3A_573, %dma_start3A_574] : memref<65x100001xf32, #tpu.memory_space<hbm>> -> memref<1x100001xf32, #tpu.memory_space<hbm>>
    %dma_start3A_576 = tpu.memref_squeeze %dma_start3A_575 : memref<1x100001xf32, #tpu.memory_space<hbm>> -> memref<100001xf32, #tpu.memory_space<hbm>>
    %dma_start3A_577 = arith.constant 0 : i32
    %dma_start3A_578 = tpu.memref_slice %arg2[%add3A_573, %dma_start3A_577] : memref<65x100001xf32, #tpu.memory_space<hbm>> -> memref<1x100001xf32, #tpu.memory_space<hbm>>
    %dma_start3A_579 = tpu.memref_squeeze %dma_start3A_578 : memref<1x100001xf32, #tpu.memory_space<hbm>> -> memref<100001xf32, #tpu.memory_space<hbm>>
    tpu.enqueue_dma source(%dma_start3A_579 : memref<100001xf32, #tpu.memory_space<hbm>>) target(%arg6 : memref<100001xf32, #tpu.memory_space<vmem>>) target_semaphore(%arg14 : memref<!tpu.dma_semaphore, #tpu.memory_space<semaphore_mem>>)
    %dma_wait3A_580 = arith.constant 0 : i32
    %dma_wait3A_581 = arith.constant 0 : i32
    %dma_wait3A_582 = arith.constant 0 : i32
    %dma_wait3A_583 = arith.constant 0 : i32
    %dma_wait3A_584 = arith.constant 0 : i32
    %dma_wait3A_585 = tpu.memref_slice %arg10[%dma_wait3A_582, %dma_wait3A_583, %dma_wait3A_584] : memref<1x4x128xf32, #tpu.memory_space<vmem>> -> memref<1x1x128xf32, #tpu.memory_space<vmem>>
    %dma_wait3A_586 = tpu.memref_squeeze %dma_wait3A_585 : memref<1x1x128xf32, #tpu.memory_space<vmem>> -> memref<128xf32, #tpu.memory_space<vmem>>
    %dma_wait3A_587 = arith.constant 0 : i32
    %dma_wait3A_588 = tpu.memref_slice %arg9[%dma_wait3A_580, %dma_wait3A_581, %dma_wait3A_587] : memref<1x4x128xi32, #tpu.memory_space<vmem>> -> memref<1x1x128xi32, #tpu.memory_space<vmem>>
    %dma_wait3A_589 = tpu.memref_squeeze %dma_wait3A_588 : memref<1x1x128xi32, #tpu.memory_space<vmem>> -> memref<128xi32, #tpu.memory_space<vmem>>
    %dma_wait3A_590 = arith.constant 0 : i32
    %dma_wait3A_591 = tpu.memref_slice %arg3[%dma_wait3A_590] : memref<100001xf32, #tpu.memory_space<hbm>> -> memref<100001xf32, #tpu.memory_space<hbm>>
    tpu.wait_indirect_dma semaphore(%arg13 : memref<!tpu.dma_semaphore, #tpu.memory_space<semaphore_mem>>) src(%dma_wait3A_591 : memref<100001xf32, #tpu.memory_space<hbm>>) dst(%dma_wait3A_586 : memref<128xf32, #tpu.memory_space<vmem>>)
    %dma_wait3A_592 = arith.constant 0 : i32
    %dma_wait3A_593 = arith.constant 1 : i32
    %dma_wait3A_594 = arith.constant 0 : i32
    %dma_wait3A_595 = arith.constant 1 : i32
    %dma_wait3A_596 = arith.constant 0 : i32
    %dma_wait3A_597 = tpu.memref_slice %arg10[%dma_wait3A_594, %dma_wait3A_595, %dma_wait3A_596] : memref<1x4x128xf32, #tpu.memory_space<vmem>> -> memref<1x1x128xf32, #tpu.memory_space<vmem>>
    %dma_wait3A_598 = tpu.memref_squeeze %dma_wait3A_597 : memref<1x1x128xf32, #tpu.memory_space<vmem>> -> memref<128xf32, #tpu.memory_space<vmem>>
    %dma_wait3A_599 = arith.constant 0 : i32
    %dma_wait3A_600 = tpu.memref_slice %arg9[%dma_wait3A_592, %dma_wait3A_593, %dma_wait3A_599] : memref<1x4x128xi32, #tpu.memory_space<vmem>> -> memref<1x1x128xi32, #tpu.memory_space<vmem>>
    %dma_wait3A_601 = tpu.memref_squeeze %dma_wait3A_600 : memref<1x1x128xi32, #tpu.memory_space<vmem>> -> memref<128xi32, #tpu.memory_space<vmem>>
    %dma_wait3A_602 = arith.constant 0 : i32
    %dma_wait3A_603 = tpu.memref_slice %arg3[%dma_wait3A_602] : memref<100001xf32, #tpu.memory_space<hbm>> -> memref<100001xf32, #tpu.memory_space<hbm>>
    tpu.wait_indirect_dma semaphore(%arg13 : memref<!tpu.dma_semaphore, #tpu.memory_space<semaphore_mem>>) src(%dma_wait3A_603 : memref<100001xf32, #tpu.memory_space<hbm>>) dst(%dma_wait3A_598 : memref<128xf32, #tpu.memory_space<vmem>>)
    %dma_wait3A_604 = arith.constant 0 : i32
    %dma_wait3A_605 = arith.constant 2 : i32
    %dma_wait3A_606 = arith.constant 0 : i32
    %dma_wait3A_607 = arith.constant 2 : i32
    %dma_wait3A_608 = arith.constant 0 : i32
    %dma_wait3A_609 = tpu.memref_slice %arg10[%dma_wait3A_606, %dma_wait3A_607, %dma_wait3A_608] : memref<1x4x128xf32, #tpu.memory_space<vmem>> -> memref<1x1x128xf32, #tpu.memory_space<vmem>>
    %dma_wait3A_610 = tpu.memref_squeeze %dma_wait3A_609 : memref<1x1x128xf32, #tpu.memory_space<vmem>> -> memref<128xf32, #tpu.memory_space<vmem>>
    %dma_wait3A_611 = arith.constant 0 : i32
    %dma_wait3A_612 = tpu.memref_slice %arg9[%dma_wait3A_604, %dma_wait3A_605, %dma_wait3A_611] : memref<1x4x128xi32, #tpu.memory_space<vmem>> -> memref<1x1x128xi32, #tpu.memory_space<vmem>>
    %dma_wait3A_613 = tpu.memref_squeeze %dma_wait3A_612 : memref<1x1x128xi32, #tpu.memory_space<vmem>> -> memref<128xi32, #tpu.memory_space<vmem>>
    %dma_wait3A_614 = arith.constant 0 : i32
    %dma_wait3A_615 = tpu.memref_slice %arg3[%dma_wait3A_614] : memref<100001xf32, #tpu.memory_space<hbm>> -> memref<100001xf32, #tpu.memory_space<hbm>>
    tpu.wait_indirect_dma semaphore(%arg13 : memref<!tpu.dma_semaphore, #tpu.memory_space<semaphore_mem>>) src(%dma_wait3A_615 : memref<100001xf32, #tpu.memory_space<hbm>>) dst(%dma_wait3A_610 : memref<128xf32, #tpu.memory_space<vmem>>)
    %dma_wait3A_616 = arith.constant 0 : i32
    %dma_wait3A_617 = arith.constant 3 : i32
    %dma_wait3A_618 = arith.constant 0 : i32
    %dma_wait3A_619 = arith.constant 3 : i32
    %dma_wait3A_620 = arith.constant 0 : i32
    %dma_wait3A_621 = tpu.memref_slice %arg10[%dma_wait3A_618, %dma_wait3A_619, %dma_wait3A_620] : memref<1x4x128xf32, #tpu.memory_space<vmem>> -> memref<1x1x128xf32, #tpu.memory_space<vmem>>
    %dma_wait3A_622 = tpu.memref_squeeze %dma_wait3A_621 : memref<1x1x128xf32, #tpu.memory_space<vmem>> -> memref<128xf32, #tpu.memory_space<vmem>>
    %dma_wait3A_623 = arith.constant 0 : i32
    %dma_wait3A_624 = tpu.memref_slice %arg9[%dma_wait3A_616, %dma_wait3A_617, %dma_wait3A_623] : memref<1x4x128xi32, #tpu.memory_space<vmem>> -> memref<1x1x128xi32, #tpu.memory_space<vmem>>
    %dma_wait3A_625 = tpu.memref_squeeze %dma_wait3A_624 : memref<1x1x128xi32, #tpu.memory_space<vmem>> -> memref<128xi32, #tpu.memory_space<vmem>>
    %dma_wait3A_626 = arith.constant 0 : i32
    %dma_wait3A_627 = tpu.memref_slice %arg3[%dma_wait3A_626] : memref<100001xf32, #tpu.memory_space<hbm>> -> memref<100001xf32, #tpu.memory_space<hbm>>
    tpu.wait_indirect_dma semaphore(%arg13 : memref<!tpu.dma_semaphore, #tpu.memory_space<semaphore_mem>>) src(%dma_wait3A_627 : memref<100001xf32, #tpu.memory_space<hbm>>) dst(%dma_wait3A_622 : memref<128xf32, #tpu.memory_space<vmem>>)
    %add3A_628 = arith.constant 0 : i32
    %add3A_629 = arith.addi %mul3A_2, %add3A_628 : i32
    %run_scoped3A = arith.constant 0 : i32
    "tpu.region"() ({
      %run_scoped3A_795 = tpu.sem_alloc : memref<!tpu.dma_semaphore, #tpu.memory_space<semaphore_mem>>
      %dma_start3A_796 = arith.constant 0 : i32
      %dma_start3A_797 = arith.constant 0 : i32
      %dma_start3A_798 = tpu.memref_slice %arg10[%run_scoped3A, %dma_start3A_796, %dma_start3A_797] : memref<1x4x128xf32, #tpu.memory_space<vmem>> -> memref<1x1x128xf32, #tpu.memory_space<vmem>>
      %dma_start3A_799 = tpu.memref_squeeze %dma_start3A_798 : memref<1x1x128xf32, #tpu.memory_space<vmem>> -> memref<1x128xf32, #tpu.memory_space<vmem>>
      %dma_start3A_800 = arith.constant 64 : i32
      %dma_start3A_801 = tpu.memref_slice %arg5[%dma_start3A_800, %add3A_629] : memref<65x16384xf32, #tpu.memory_space<hbm>> -> memref<1x128xf32, #tpu.memory_space<hbm>>
      %dma_start3A_802 = arith.constant 64 : i32
      %dma_start3A_803 = tpu.memref_slice %arg5[%dma_start3A_802, %add3A_629] : memref<65x16384xf32, #tpu.memory_space<hbm>> -> memref<1x128xf32, #tpu.memory_space<hbm>>
      %dma_start3A_804 = arith.constant 0 : i32
      %dma_start3A_805 = arith.constant 0 : i32
      %dma_start3A_806 = tpu.memref_slice %arg10[%run_scoped3A, %dma_start3A_804, %dma_start3A_805] : memref<1x4x128xf32, #tpu.memory_space<vmem>> -> memref<1x1x128xf32, #tpu.memory_space<vmem>>
      %dma_start3A_807 = tpu.memref_squeeze %dma_start3A_806 : memref<1x1x128xf32, #tpu.memory_space<vmem>> -> memref<1x128xf32, #tpu.memory_space<vmem>>
      tpu.enqueue_dma source(%dma_start3A_807 : memref<1x128xf32, #tpu.memory_space<vmem>>) target(%dma_start3A_803 : memref<1x128xf32, #tpu.memory_space<hbm>>) target_semaphore(%run_scoped3A_795 : memref<!tpu.dma_semaphore, #tpu.memory_space<semaphore_mem>>)
      %dma_wait3A_808 = arith.constant 0 : i32
      %dma_wait3A_809 = arith.constant 0 : i32
      %dma_wait3A_810 = tpu.memref_slice %arg10[%run_scoped3A, %dma_wait3A_808, %dma_wait3A_809] : memref<1x4x128xf32, #tpu.memory_space<vmem>> -> memref<1x1x128xf32, #tpu.memory_space<vmem>>
      %dma_wait3A_811 = tpu.memref_squeeze %dma_wait3A_810 : memref<1x1x128xf32, #tpu.memory_space<vmem>> -> memref<1x128xf32, #tpu.memory_space<vmem>>
      %dma_wait3A_812 = arith.constant 64 : i32
      %dma_wait3A_813 = tpu.memref_slice %arg5[%dma_wait3A_812, %add3A_629] : memref<65x16384xf32, #tpu.memory_space<hbm>> -> memref<1x128xf32, #tpu.memory_space<hbm>>
      %dma_wait3A_814 = arith.constant 64 : i32
      %dma_wait3A_815 = tpu.memref_slice %arg5[%dma_wait3A_814, %add3A_629] : memref<65x16384xf32, #tpu.memory_space<hbm>> -> memref<1x128xf32, #tpu.memory_space<hbm>>
      %dma_wait3A_816 = arith.constant 0 : i32
      %dma_wait3A_817 = arith.constant 0 : i32
      %dma_wait3A_818 = tpu.memref_slice %arg10[%run_scoped3A, %dma_wait3A_816, %dma_wait3A_817] : memref<1x4x128xf32, #tpu.memory_space<vmem>> -> memref<1x1x128xf32, #tpu.memory_space<vmem>>
      %dma_wait3A_819 = tpu.memref_squeeze %dma_wait3A_818 : memref<1x1x128xf32, #tpu.memory_space<vmem>> -> memref<1x128xf32, #tpu.memory_space<vmem>>
      tpu.wait_dma2 semaphore(%run_scoped3A_795 : memref<!tpu.dma_semaphore, #tpu.memory_space<semaphore_mem>>) src(%dma_wait3A_819 : memref<1x128xf32, #tpu.memory_space<vmem>>) dst(%dma_wait3A_815 : memref<1x128xf32, #tpu.memory_space<hbm>>)
      tpu.yield
    }) : () -> ()
    %add3A_630 = arith.constant 128 : i32
    %add3A_631 = arith.addi %mul3A_2, %add3A_630 : i32
    %run_scoped3A_632 = arith.constant 0 : i32
    "tpu.region"() ({
      %run_scoped3A_795 = tpu.sem_alloc : memref<!tpu.dma_semaphore, #tpu.memory_space<semaphore_mem>>
      %dma_start3A_796 = arith.constant 1 : i32
      %dma_start3A_797 = arith.constant 0 : i32
      %dma_start3A_798 = tpu.memref_slice %arg10[%run_scoped3A_632, %dma_start3A_796, %dma_start3A_797] : memref<1x4x128xf32, #tpu.memory_space<vmem>> -> memref<1x1x128xf32, #tpu.memory_space<vmem>>
      %dma_start3A_799 = tpu.memref_squeeze %dma_start3A_798 : memref<1x1x128xf32, #tpu.memory_space<vmem>> -> memref<1x128xf32, #tpu.memory_space<vmem>>
      %dma_start3A_800 = arith.constant 64 : i32
      %dma_start3A_801 = tpu.memref_slice %arg5[%dma_start3A_800, %add3A_631] : memref<65x16384xf32, #tpu.memory_space<hbm>> -> memref<1x128xf32, #tpu.memory_space<hbm>>
      %dma_start3A_802 = arith.constant 64 : i32
      %dma_start3A_803 = tpu.memref_slice %arg5[%dma_start3A_802, %add3A_631] : memref<65x16384xf32, #tpu.memory_space<hbm>> -> memref<1x128xf32, #tpu.memory_space<hbm>>
      %dma_start3A_804 = arith.constant 1 : i32
      %dma_start3A_805 = arith.constant 0 : i32
      %dma_start3A_806 = tpu.memref_slice %arg10[%run_scoped3A_632, %dma_start3A_804, %dma_start3A_805] : memref<1x4x128xf32, #tpu.memory_space<vmem>> -> memref<1x1x128xf32, #tpu.memory_space<vmem>>
      %dma_start3A_807 = tpu.memref_squeeze %dma_start3A_806 : memref<1x1x128xf32, #tpu.memory_space<vmem>> -> memref<1x128xf32, #tpu.memory_space<vmem>>
      tpu.enqueue_dma source(%dma_start3A_807 : memref<1x128xf32, #tpu.memory_space<vmem>>) target(%dma_start3A_803 : memref<1x128xf32, #tpu.memory_space<hbm>>) target_semaphore(%run_scoped3A_795 : memref<!tpu.dma_semaphore, #tpu.memory_space<semaphore_mem>>)
      %dma_wait3A_808 = arith.constant 1 : i32
      %dma_wait3A_809 = arith.constant 0 : i32
      %dma_wait3A_810 = tpu.memref_slice %arg10[%run_scoped3A_632, %dma_wait3A_808, %dma_wait3A_809] : memref<1x4x128xf32, #tpu.memory_space<vmem>> -> memref<1x1x128xf32, #tpu.memory_space<vmem>>
      %dma_wait3A_811 = tpu.memref_squeeze %dma_wait3A_810 : memref<1x1x128xf32, #tpu.memory_space<vmem>> -> memref<1x128xf32, #tpu.memory_space<vmem>>
      %dma_wait3A_812 = arith.constant 64 : i32
      %dma_wait3A_813 = tpu.memref_slice %arg5[%dma_wait3A_812, %add3A_631] : memref<65x16384xf32, #tpu.memory_space<hbm>> -> memref<1x128xf32, #tpu.memory_space<hbm>>
      %dma_wait3A_814 = arith.constant 64 : i32
      %dma_wait3A_815 = tpu.memref_slice %arg5[%dma_wait3A_814, %add3A_631] : memref<65x16384xf32, #tpu.memory_space<hbm>> -> memref<1x128xf32, #tpu.memory_space<hbm>>
      %dma_wait3A_816 = arith.constant 1 : i32
      %dma_wait3A_817 = arith.constant 0 : i32
      %dma_wait3A_818 = tpu.memref_slice %arg10[%run_scoped3A_632, %dma_wait3A_816, %dma_wait3A_817] : memref<1x4x128xf32, #tpu.memory_space<vmem>> -> memref<1x1x128xf32, #tpu.memory_space<vmem>>
      %dma_wait3A_819 = tpu.memref_squeeze %dma_wait3A_818 : memref<1x1x128xf32, #tpu.memory_space<vmem>> -> memref<1x128xf32, #tpu.memory_space<vmem>>
      tpu.wait_dma2 semaphore(%run_scoped3A_795 : memref<!tpu.dma_semaphore, #tpu.memory_space<semaphore_mem>>) src(%dma_wait3A_819 : memref<1x128xf32, #tpu.memory_space<vmem>>) dst(%dma_wait3A_815 : memref<1x128xf32, #tpu.memory_space<hbm>>)
      tpu.yield
    }) : () -> ()
    %add3A_633 = arith.constant 256 : i32
    %add3A_634 = arith.addi %mul3A_2, %add3A_633 : i32
    %run_scoped3A_635 = arith.constant 0 : i32
    "tpu.region"() ({
      %run_scoped3A_795 = tpu.sem_alloc : memref<!tpu.dma_semaphore, #tpu.memory_space<semaphore_mem>>
      %dma_start3A_796 = arith.constant 2 : i32
      %dma_start3A_797 = arith.constant 0 : i32
      %dma_start3A_798 = tpu.memref_slice %arg10[%run_scoped3A_635, %dma_start3A_796, %dma_start3A_797] : memref<1x4x128xf32, #tpu.memory_space<vmem>> -> memref<1x1x128xf32, #tpu.memory_space<vmem>>
      %dma_start3A_799 = tpu.memref_squeeze %dma_start3A_798 : memref<1x1x128xf32, #tpu.memory_space<vmem>> -> memref<1x128xf32, #tpu.memory_space<vmem>>
      %dma_start3A_800 = arith.constant 64 : i32
      %dma_start3A_801 = tpu.memref_slice %arg5[%dma_start3A_800, %add3A_634] : memref<65x16384xf32, #tpu.memory_space<hbm>> -> memref<1x128xf32, #tpu.memory_space<hbm>>
      %dma_start3A_802 = arith.constant 64 : i32
      %dma_start3A_803 = tpu.memref_slice %arg5[%dma_start3A_802, %add3A_634] : memref<65x16384xf32, #tpu.memory_space<hbm>> -> memref<1x128xf32, #tpu.memory_space<hbm>>
      %dma_start3A_804 = arith.constant 2 : i32
      %dma_start3A_805 = arith.constant 0 : i32
      %dma_start3A_806 = tpu.memref_slice %arg10[%run_scoped3A_635, %dma_start3A_804, %dma_start3A_805] : memref<1x4x128xf32, #tpu.memory_space<vmem>> -> memref<1x1x128xf32, #tpu.memory_space<vmem>>
      %dma_start3A_807 = tpu.memref_squeeze %dma_start3A_806 : memref<1x1x128xf32, #tpu.memory_space<vmem>> -> memref<1x128xf32, #tpu.memory_space<vmem>>
      tpu.enqueue_dma source(%dma_start3A_807 : memref<1x128xf32, #tpu.memory_space<vmem>>) target(%dma_start3A_803 : memref<1x128xf32, #tpu.memory_space<hbm>>) target_semaphore(%run_scoped3A_795 : memref<!tpu.dma_semaphore, #tpu.memory_space<semaphore_mem>>)
      %dma_wait3A_808 = arith.constant 2 : i32
      %dma_wait3A_809 = arith.constant 0 : i32
      %dma_wait3A_810 = tpu.memref_slice %arg10[%run_scoped3A_635, %dma_wait3A_808, %dma_wait3A_809] : memref<1x4x128xf32, #tpu.memory_space<vmem>> -> memref<1x1x128xf32, #tpu.memory_space<vmem>>
      %dma_wait3A_811 = tpu.memref_squeeze %dma_wait3A_810 : memref<1x1x128xf32, #tpu.memory_space<vmem>> -> memref<1x128xf32, #tpu.memory_space<vmem>>
      %dma_wait3A_812 = arith.constant 64 : i32
      %dma_wait3A_813 = tpu.memref_slice %arg5[%dma_wait3A_812, %add3A_634] : memref<65x16384xf32, #tpu.memory_space<hbm>> -> memref<1x128xf32, #tpu.memory_space<hbm>>
      %dma_wait3A_814 = arith.constant 64 : i32
      %dma_wait3A_815 = tpu.memref_slice %arg5[%dma_wait3A_814, %add3A_634] : memref<65x16384xf32, #tpu.memory_space<hbm>> -> memref<1x128xf32, #tpu.memory_space<hbm>>
      %dma_wait3A_816 = arith.constant 2 : i32
      %dma_wait3A_817 = arith.constant 0 : i32
      %dma_wait3A_818 = tpu.memref_slice %arg10[%run_scoped3A_635, %dma_wait3A_816, %dma_wait3A_817] : memref<1x4x128xf32, #tpu.memory_space<vmem>> -> memref<1x1x128xf32, #tpu.memory_space<vmem>>
      %dma_wait3A_819 = tpu.memref_squeeze %dma_wait3A_818 : memref<1x1x128xf32, #tpu.memory_space<vmem>> -> memref<1x128xf32, #tpu.memory_space<vmem>>
      tpu.wait_dma2 semaphore(%run_scoped3A_795 : memref<!tpu.dma_semaphore, #tpu.memory_space<semaphore_mem>>) src(%dma_wait3A_819 : memref<1x128xf32, #tpu.memory_space<vmem>>) dst(%dma_wait3A_815 : memref<1x128xf32, #tpu.memory_space<hbm>>)
      tpu.yield
    }) : () -> ()
    %add3A_636 = arith.constant 384 : i32
    %add3A_637 = arith.addi %mul3A_2, %add3A_636 : i32
    %run_scoped3A_638 = arith.constant 0 : i32
    "tpu.region"() ({
      %run_scoped3A_795 = tpu.sem_alloc : memref<!tpu.dma_semaphore, #tpu.memory_space<semaphore_mem>>
      %dma_start3A_796 = arith.constant 3 : i32
      %dma_start3A_797 = arith.constant 0 : i32
      %dma_start3A_798 = tpu.memref_slice %arg10[%run_scoped3A_638, %dma_start3A_796, %dma_start3A_797] : memref<1x4x128xf32, #tpu.memory_space<vmem>> -> memref<1x1x128xf32, #tpu.memory_space<vmem>>
      %dma_start3A_799 = tpu.memref_squeeze %dma_start3A_798 : memref<1x1x128xf32, #tpu.memory_space<vmem>> -> memref<1x128xf32, #tpu.memory_space<vmem>>
      %dma_start3A_800 = arith.constant 64 : i32
      %dma_start3A_801 = tpu.memref_slice %arg5[%dma_start3A_800, %add3A_637] : memref<65x16384xf32, #tpu.memory_space<hbm>> -> memref<1x128xf32, #tpu.memory_space<hbm>>
      %dma_start3A_802 = arith.constant 64 : i32
      %dma_start3A_803 = tpu.memref_slice %arg5[%dma_start3A_802, %add3A_637] : memref<65x16384xf32, #tpu.memory_space<hbm>> -> memref<1x128xf32, #tpu.memory_space<hbm>>
      %dma_start3A_804 = arith.constant 3 : i32
      %dma_start3A_805 = arith.constant 0 : i32
      %dma_start3A_806 = tpu.memref_slice %arg10[%run_scoped3A_638, %dma_start3A_804, %dma_start3A_805] : memref<1x4x128xf32, #tpu.memory_space<vmem>> -> memref<1x1x128xf32, #tpu.memory_space<vmem>>
      %dma_start3A_807 = tpu.memref_squeeze %dma_start3A_806 : memref<1x1x128xf32, #tpu.memory_space<vmem>> -> memref<1x128xf32, #tpu.memory_space<vmem>>
      tpu.enqueue_dma source(%dma_start3A_807 : memref<1x128xf32, #tpu.memory_space<vmem>>) target(%dma_start3A_803 : memref<1x128xf32, #tpu.memory_space<hbm>>) target_semaphore(%run_scoped3A_795 : memref<!tpu.dma_semaphore, #tpu.memory_space<semaphore_mem>>)
      %dma_wait3A_808 = arith.constant 3 : i32
      %dma_wait3A_809 = arith.constant 0 : i32
      %dma_wait3A_810 = tpu.memref_slice %arg10[%run_scoped3A_638, %dma_wait3A_808, %dma_wait3A_809] : memref<1x4x128xf32, #tpu.memory_space<vmem>> -> memref<1x1x128xf32, #tpu.memory_space<vmem>>
      %dma_wait3A_811 = tpu.memref_squeeze %dma_wait3A_810 : memref<1x1x128xf32, #tpu.memory_space<vmem>> -> memref<1x128xf32, #tpu.memory_space<vmem>>
      %dma_wait3A_812 = arith.constant 64 : i32
      %dma_wait3A_813 = tpu.memref_slice %arg5[%dma_wait3A_812, %add3A_637] : memref<65x16384xf32, #tpu.memory_space<hbm>> -> memref<1x128xf32, #tpu.memory_space<hbm>>
      %dma_wait3A_814 = arith.constant 64 : i32
      %dma_wait3A_815 = tpu.memref_slice %arg5[%dma_wait3A_814, %add3A_637] : memref<65x16384xf32, #tpu.memory_space<hbm>> -> memref<1x128xf32, #tpu.memory_space<hbm>>
      %dma_wait3A_816 = arith.constant 3 : i32
      %dma_wait3A_817 = arith.constant 0 : i32
      %dma_wait3A_818 = tpu.memref_slice %arg10[%run_scoped3A_638, %dma_wait3A_816, %dma_wait3A_817] : memref<1x4x128xf32, #tpu.memory_space<vmem>> -> memref<1x1x128xf32, #tpu.memory_space<vmem>>
      %dma_wait3A_819 = tpu.memref_squeeze %dma_wait3A_818 : memref<1x1x128xf32, #tpu.memory_space<vmem>> -> memref<1x128xf32, #tpu.memory_space<vmem>>
      tpu.wait_dma2 semaphore(%run_scoped3A_795 : memref<!tpu.dma_semaphore, #tpu.memory_space<semaphore_mem>>) src(%dma_wait3A_819 : memref<1x128xf32, #tpu.memory_space<vmem>>) dst(%dma_wait3A_815 : memref<1x128xf32, #tpu.memory_space<hbm>>)
      tpu.yield
    }) : () -> ()
    %dma_wait3A_639 = arith.constant 0 : i32
    %dma_wait3A_640 = tpu.memref_slice %arg2[%add3A_573, %dma_wait3A_639] : memref<65x100001xf32, #tpu.memory_space<hbm>> -> memref<1x100001xf32, #tpu.memory_space<hbm>>
    %dma_wait3A_641 = tpu.memref_squeeze %dma_wait3A_640 : memref<1x100001xf32, #tpu.memory_space<hbm>> -> memref<100001xf32, #tpu.memory_space<hbm>>
    %dma_wait3A_642 = arith.constant 0 : i32
    %dma_wait3A_643 = tpu.memref_slice %arg2[%add3A_573, %dma_wait3A_642] : memref<65x100001xf32, #tpu.memory_space<hbm>> -> memref<1x100001xf32, #tpu.memory_space<hbm>>
    %dma_wait3A_644 = tpu.memref_squeeze %dma_wait3A_643 : memref<1x100001xf32, #tpu.memory_space<hbm>> -> memref<100001xf32, #tpu.memory_space<hbm>>
    tpu.wait_dma2 semaphore(%arg14 : memref<!tpu.dma_semaphore, #tpu.memory_space<semaphore_mem>>) src(%dma_wait3A_644 : memref<100001xf32, #tpu.memory_space<hbm>>) dst(%arg6 : memref<100001xf32, #tpu.memory_space<vmem>>)
    %dma_wait3A_645 = arith.constant 0 : i32
    %dma_wait3A_646 = arith.constant 0 : i32
    %dma_wait3A_647 = tpu.memref_slice %arg8[%dma_wait3A_645, %dma_wait3A_646] : memref<2x4096xf32, #tpu.memory_space<vmem>> -> memref<1x4096xf32, #tpu.memory_space<vmem>>
    %dma_wait3A_648 = tpu.memref_squeeze %dma_wait3A_647 : memref<1x4096xf32, #tpu.memory_space<vmem>> -> memref<4096xf32, #tpu.memory_space<vmem>>
    %dma_wait3A_649 = arith.constant 8192 : i32
    %dma_wait3A_650 = tpu.memref_slice %arg5[%add3A_527, %dma_wait3A_649] : memref<65x16384xf32, #tpu.memory_space<hbm>> -> memref<1x4096xf32, #tpu.memory_space<hbm>>
    %dma_wait3A_651 = tpu.memref_squeeze %dma_wait3A_650 : memref<1x4096xf32, #tpu.memory_space<hbm>> -> memref<4096xf32, #tpu.memory_space<hbm>>
    %dma_wait3A_652 = arith.constant 8192 : i32
    %dma_wait3A_653 = tpu.memref_slice %arg5[%add3A_527, %dma_wait3A_652] : memref<65x16384xf32, #tpu.memory_space<hbm>> -> memref<1x4096xf32, #tpu.memory_space<hbm>>
    %dma_wait3A_654 = tpu.memref_squeeze %dma_wait3A_653 : memref<1x4096xf32, #tpu.memory_space<hbm>> -> memref<4096xf32, #tpu.memory_space<hbm>>
    %dma_wait3A_655 = arith.constant 0 : i32
    %dma_wait3A_656 = tpu.memref_slice %arg8[%dma_wait3A_645, %dma_wait3A_655] : memref<2x4096xf32, #tpu.memory_space<vmem>> -> memref<1x4096xf32, #tpu.memory_space<vmem>>
    %dma_wait3A_657 = tpu.memref_squeeze %dma_wait3A_656 : memref<1x4096xf32, #tpu.memory_space<vmem>> -> memref<4096xf32, #tpu.memory_space<vmem>>
    tpu.wait_dma2 semaphore(%arg11 : memref<!tpu.dma_semaphore, #tpu.memory_space<semaphore_mem>>) src(%dma_wait3A_657 : memref<4096xf32, #tpu.memory_space<vmem>>) dst(%dma_wait3A_654 : memref<4096xf32, #tpu.memory_space<hbm>>)
    %parallel_loop3A_658 = arith.constant 0 : i32
    %parallel_loop3A_659 = arith.constant 4096 : i32
    %parallel_loop3A_660 = arith.constant 16 : i32
    scf.for %parallel_loop3A_795 = %parallel_loop3A_658 to %parallel_loop3A_659 step %parallel_loop3A_660  : i32 {
      %parallel_loop3A_796 = arith.constant 0 : i32
      %parallel_loop3A_797 = arith.addi %parallel_loop3A_796, %parallel_loop3A_795 : i32
      %parallel_loop3A_798 = arith.index_cast %parallel_loop3A_797 : i32 to index
      %parallel_loop3A_799 = tpu.vector_load %arg7[%parallel_loop3A_798] {strides = array<i32>} : memref<16384xi32, #tpu.memory_space<vmem>>, vector<16xi32>,
      %parallel_loop3A_800 = tpu.vector_load_idx %arg6[%parallel_loop3A_799] : memref<100001xf32, #tpu.memory_space<vmem>>[vector<16xi32>], vector<16xf32>,
      %parallel_loop3A_801 = arith.constant 0 : i32
      %parallel_loop3A_802 = arith.index_cast %parallel_loop3A_801 : i32 to index
      %parallel_loop3A_803 = arith.index_cast %parallel_loop3A_795 : i32 to index
      %parallel_loop3A_804 = tpu.vector_load %arg8[%parallel_loop3A_802, %parallel_loop3A_803] {strides = array<i32>} : memref<2x4096xf32, #tpu.memory_space<vmem>>, vector<16xf32>,
      tpu.vector_store %arg8[%parallel_loop3A_802, %parallel_loop3A_803], %parallel_loop3A_800 {strides = array<i32>} : memref<2x4096xf32, #tpu.memory_space<vmem>>, vector<16xf32>,
    } {sc.loop_unroll_factor = 8 : i64, sc.parallel_access}
    %add3A_661 = arith.constant 32 : i32
    %add3A_662 = arith.addi %add3A_661, %add3A : i32
    %dma_start3A_663 = arith.constant 0 : i32
    %dma_start3A_664 = arith.constant 0 : i32
    %dma_start3A_665 = tpu.memref_slice %arg8[%dma_start3A_663, %dma_start3A_664] : memref<2x4096xf32, #tpu.memory_space<vmem>> -> memref<1x4096xf32, #tpu.memory_space<vmem>>
    %dma_start3A_666 = tpu.memref_squeeze %dma_start3A_665 : memref<1x4096xf32, #tpu.memory_space<vmem>> -> memref<4096xf32, #tpu.memory_space<vmem>>
    %dma_start3A_667 = arith.constant 0 : i32
    %dma_start3A_668 = tpu.memref_slice %arg5[%add3A_662, %dma_start3A_667] : memref<65x16384xf32, #tpu.memory_space<hbm>> -> memref<1x4096xf32, #tpu.memory_space<hbm>>
    %dma_start3A_669 = tpu.memref_squeeze %dma_start3A_668 : memref<1x4096xf32, #tpu.memory_space<hbm>> -> memref<4096xf32, #tpu.memory_space<hbm>>
    %dma_start3A_670 = arith.constant 0 : i32
    %dma_start3A_671 = tpu.memref_slice %arg5[%add3A_662, %dma_start3A_670] : memref<65x16384xf32, #tpu.memory_space<hbm>> -> memref<1x4096xf32, #tpu.memory_space<hbm>>
    %dma_start3A_672 = tpu.memref_squeeze %dma_start3A_671 : memref<1x4096xf32, #tpu.memory_space<hbm>> -> memref<4096xf32, #tpu.memory_space<hbm>>
    %dma_start3A_673 = arith.constant 0 : i32
    %dma_start3A_674 = tpu.memref_slice %arg8[%dma_start3A_663, %dma_start3A_673] : memref<2x4096xf32, #tpu.memory_space<vmem>> -> memref<1x4096xf32, #tpu.memory_space<vmem>>
    %dma_start3A_675 = tpu.memref_squeeze %dma_start3A_674 : memref<1x4096xf32, #tpu.memory_space<vmem>> -> memref<4096xf32, #tpu.memory_space<vmem>>
    tpu.enqueue_dma source(%dma_start3A_675 : memref<4096xf32, #tpu.memory_space<vmem>>) target(%dma_start3A_672 : memref<4096xf32, #tpu.memory_space<hbm>>) target_semaphore(%arg11 : memref<!tpu.dma_semaphore, #tpu.memory_space<semaphore_mem>>)
    %dma_wait3A_676 = arith.constant 1 : i32
    %dma_wait3A_677 = arith.constant 0 : i32
    %dma_wait3A_678 = tpu.memref_slice %arg8[%dma_wait3A_676, %dma_wait3A_677] : memref<2x4096xf32, #tpu.memory_space<vmem>> -> memref<1x4096xf32, #tpu.memory_space<vmem>>
    %dma_wait3A_679 = tpu.memref_squeeze %dma_wait3A_678 : memref<1x4096xf32, #tpu.memory_space<vmem>> -> memref<4096xf32, #tpu.memory_space<vmem>>
    %dma_wait3A_680 = arith.constant 12288 : i32
    %dma_wait3A_681 = tpu.memref_slice %arg5[%add3A_558, %dma_wait3A_680] : memref<65x16384xf32, #tpu.memory_space<hbm>> -> memref<1x4096xf32, #tpu.memory_space<hbm>>
    %dma_wait3A_682 = tpu.memref_squeeze %dma_wait3A_681 : memref<1x4096xf32, #tpu.memory_space<hbm>> -> memref<4096xf32, #tpu.memory_space<hbm>>
    %dma_wait3A_683 = arith.constant 12288 : i32
    %dma_wait3A_684 = tpu.memref_slice %arg5[%add3A_558, %dma_wait3A_683] : memref<65x16384xf32, #tpu.memory_space<hbm>> -> memref<1x4096xf32, #tpu.memory_space<hbm>>
    %dma_wait3A_685 = tpu.memref_squeeze %dma_wait3A_684 : memref<1x4096xf32, #tpu.memory_space<hbm>> -> memref<4096xf32, #tpu.memory_space<hbm>>
    %dma_wait3A_686 = arith.constant 0 : i32
    %dma_wait3A_687 = tpu.memref_slice %arg8[%dma_wait3A_676, %dma_wait3A_686] : memref<2x4096xf32, #tpu.memory_space<vmem>> -> memref<1x4096xf32, #tpu.memory_space<vmem>>
    %dma_wait3A_688 = tpu.memref_squeeze %dma_wait3A_687 : memref<1x4096xf32, #tpu.memory_space<vmem>> -> memref<4096xf32, #tpu.memory_space<vmem>>
    tpu.wait_dma2 semaphore(%arg12 : memref<!tpu.dma_semaphore, #tpu.memory_space<semaphore_mem>>) src(%dma_wait3A_688 : memref<4096xf32, #tpu.memory_space<vmem>>) dst(%dma_wait3A_685 : memref<4096xf32, #tpu.memory_space<hbm>>)
    %parallel_loop3A_689 = arith.constant 0 : i32
    %parallel_loop3A_690 = arith.constant 4096 : i32
    %parallel_loop3A_691 = arith.constant 16 : i32
    scf.for %parallel_loop3A_795 = %parallel_loop3A_689 to %parallel_loop3A_690 step %parallel_loop3A_691  : i32 {
      %parallel_loop3A_796 = arith.constant 4096 : i32
      %parallel_loop3A_797 = arith.addi %parallel_loop3A_796, %parallel_loop3A_795 : i32
      %parallel_loop3A_798 = arith.index_cast %parallel_loop3A_797 : i32 to index
      %parallel_loop3A_799 = tpu.vector_load %arg7[%parallel_loop3A_798] {strides = array<i32>} : memref<16384xi32, #tpu.memory_space<vmem>>, vector<16xi32>,
      %parallel_loop3A_800 = tpu.vector_load_idx %arg6[%parallel_loop3A_799] : memref<100001xf32, #tpu.memory_space<vmem>>[vector<16xi32>], vector<16xf32>,
      %parallel_loop3A_801 = arith.constant 1 : i32
      %parallel_loop3A_802 = arith.index_cast %parallel_loop3A_801 : i32 to index
      %parallel_loop3A_803 = arith.index_cast %parallel_loop3A_795 : i32 to index
      %parallel_loop3A_804 = tpu.vector_load %arg8[%parallel_loop3A_802, %parallel_loop3A_803] {strides = array<i32>} : memref<2x4096xf32, #tpu.memory_space<vmem>>, vector<16xf32>,
      tpu.vector_store %arg8[%parallel_loop3A_802, %parallel_loop3A_803], %parallel_loop3A_800 {strides = array<i32>} : memref<2x4096xf32, #tpu.memory_space<vmem>>, vector<16xf32>,
    } {sc.loop_unroll_factor = 8 : i64, sc.parallel_access}
    %add3A_692 = arith.constant 32 : i32
    %add3A_693 = arith.addi %add3A_692, %add3A : i32
    %dma_start3A_694 = arith.constant 1 : i32
    %dma_start3A_695 = arith.constant 0 : i32
    %dma_start3A_696 = tpu.memref_slice %arg8[%dma_start3A_694, %dma_start3A_695] : memref<2x4096xf32, #tpu.memory_space<vmem>> -> memref<1x4096xf32, #tpu.memory_space<vmem>>
    %dma_start3A_697 = tpu.memref_squeeze %dma_start3A_696 : memref<1x4096xf32, #tpu.memory_space<vmem>> -> memref<4096xf32, #tpu.memory_space<vmem>>
    %dma_start3A_698 = arith.constant 4096 : i32
    %dma_start3A_699 = tpu.memref_slice %arg5[%add3A_693, %dma_start3A_698] : memref<65x16384xf32, #tpu.memory_space<hbm>> -> memref<1x4096xf32, #tpu.memory_space<hbm>>
    %dma_start3A_700 = tpu.memref_squeeze %dma_start3A_699 : memref<1x4096xf32, #tpu.memory_space<hbm>> -> memref<4096xf32, #tpu.memory_space<hbm>>
    %dma_start3A_701 = arith.constant 4096 : i32
    %dma_start3A_702 = tpu.memref_slice %arg5[%add3A_693, %dma_start3A_701] : memref<65x16384xf32, #tpu.memory_space<hbm>> -> memref<1x4096xf32, #tpu.memory_space<hbm>>
    %dma_start3A_703 = tpu.memref_squeeze %dma_start3A_702 : memref<1x4096xf32, #tpu.memory_space<hbm>> -> memref<4096xf32, #tpu.memory_space<hbm>>
    %dma_start3A_704 = arith.constant 0 : i32
    %dma_start3A_705 = tpu.memref_slice %arg8[%dma_start3A_694, %dma_start3A_704] : memref<2x4096xf32, #tpu.memory_space<vmem>> -> memref<1x4096xf32, #tpu.memory_space<vmem>>
    %dma_start3A_706 = tpu.memref_squeeze %dma_start3A_705 : memref<1x4096xf32, #tpu.memory_space<vmem>> -> memref<4096xf32, #tpu.memory_space<vmem>>
    tpu.enqueue_dma source(%dma_start3A_706 : memref<4096xf32, #tpu.memory_space<vmem>>) target(%dma_start3A_703 : memref<4096xf32, #tpu.memory_space<hbm>>) target_semaphore(%arg12 : memref<!tpu.dma_semaphore, #tpu.memory_space<semaphore_mem>>)
    %dma_wait3A_707 = arith.constant 0 : i32
    %dma_wait3A_708 = arith.constant 0 : i32
    %dma_wait3A_709 = tpu.memref_slice %arg8[%dma_wait3A_707, %dma_wait3A_708] : memref<2x4096xf32, #tpu.memory_space<vmem>> -> memref<1x4096xf32, #tpu.memory_space<vmem>>
    %dma_wait3A_710 = tpu.memref_squeeze %dma_wait3A_709 : memref<1x4096xf32, #tpu.memory_space<vmem>> -> memref<4096xf32, #tpu.memory_space<vmem>>
    %dma_wait3A_711 = arith.constant 0 : i32
    %dma_wait3A_712 = tpu.memref_slice %arg5[%add3A_662, %dma_wait3A_711] : memref<65x16384xf32, #tpu.memory_space<hbm>> -> memref<1x4096xf32, #tpu.memory_space<hbm>>
    %dma_wait3A_713 = tpu.memref_squeeze %dma_wait3A_712 : memref<1x4096xf32, #tpu.memory_space<hbm>> -> memref<4096xf32, #tpu.memory_space<hbm>>
    %dma_wait3A_714 = arith.constant 0 : i32
    %dma_wait3A_715 = tpu.memref_slice %arg5[%add3A_662, %dma_wait3A_714] : memref<65x16384xf32, #tpu.memory_space<hbm>> -> memref<1x4096xf32, #tpu.memory_space<hbm>>
    %dma_wait3A_716 = tpu.memref_squeeze %dma_wait3A_715 : memref<1x4096xf32, #tpu.memory_space<hbm>> -> memref<4096xf32, #tpu.memory_space<hbm>>
    %dma_wait3A_717 = arith.constant 0 : i32
    %dma_wait3A_718 = tpu.memref_slice %arg8[%dma_wait3A_707, %dma_wait3A_717] : memref<2x4096xf32, #tpu.memory_space<vmem>> -> memref<1x4096xf32, #tpu.memory_space<vmem>>
    %dma_wait3A_719 = tpu.memref_squeeze %dma_wait3A_718 : memref<1x4096xf32, #tpu.memory_space<vmem>> -> memref<4096xf32, #tpu.memory_space<vmem>>
    tpu.wait_dma2 semaphore(%arg11 : memref<!tpu.dma_semaphore, #tpu.memory_space<semaphore_mem>>) src(%dma_wait3A_719 : memref<4096xf32, #tpu.memory_space<vmem>>) dst(%dma_wait3A_716 : memref<4096xf32, #tpu.memory_space<hbm>>)
    %parallel_loop3A_720 = arith.constant 0 : i32
    %parallel_loop3A_721 = arith.constant 4096 : i32
    %parallel_loop3A_722 = arith.constant 16 : i32
    scf.for %parallel_loop3A_795 = %parallel_loop3A_720 to %parallel_loop3A_721 step %parallel_loop3A_722  : i32 {
      %parallel_loop3A_796 = arith.constant 8192 : i32
      %parallel_loop3A_797 = arith.addi %parallel_loop3A_796, %parallel_loop3A_795 : i32
      %parallel_loop3A_798 = arith.index_cast %parallel_loop3A_797 : i32 to index
      %parallel_loop3A_799 = tpu.vector_load %arg7[%parallel_loop3A_798] {strides = array<i32>} : memref<16384xi32, #tpu.memory_space<vmem>>, vector<16xi32>,
      %parallel_loop3A_800 = tpu.vector_load_idx %arg6[%parallel_loop3A_799] : memref<100001xf32, #tpu.memory_space<vmem>>[vector<16xi32>], vector<16xf32>,
      %parallel_loop3A_801 = arith.constant 0 : i32
      %parallel_loop3A_802 = arith.index_cast %parallel_loop3A_801 : i32 to index
      %parallel_loop3A_803 = arith.index_cast %parallel_loop3A_795 : i32 to index
      %parallel_loop3A_804 = tpu.vector_load %arg8[%parallel_loop3A_802, %parallel_loop3A_803] {strides = array<i32>} : memref<2x4096xf32, #tpu.memory_space<vmem>>, vector<16xf32>,
      tpu.vector_store %arg8[%parallel_loop3A_802, %parallel_loop3A_803], %parallel_loop3A_800 {strides = array<i32>} : memref<2x4096xf32, #tpu.memory_space<vmem>>, vector<16xf32>,
    } {sc.loop_unroll_factor = 8 : i64, sc.parallel_access}
    %add3A_723 = arith.constant 32 : i32
    %add3A_724 = arith.addi %add3A_723, %add3A : i32
    %dma_start3A_725 = arith.constant 0 : i32
    %dma_start3A_726 = arith.constant 0 : i32
    %dma_start3A_727 = tpu.memref_slice %arg8[%dma_start3A_725, %dma_start3A_726] : memref<2x4096xf32, #tpu.memory_space<vmem>> -> memref<1x4096xf32, #tpu.memory_space<vmem>>
    %dma_start3A_728 = tpu.memref_squeeze %dma_start3A_727 : memref<1x4096xf32, #tpu.memory_space<vmem>> -> memref<4096xf32, #tpu.memory_space<vmem>>
    %dma_start3A_729 = arith.constant 8192 : i32
    %dma_start3A_730 = tpu.memref_slice %arg5[%add3A_724, %dma_start3A_729] : memref<65x16384xf32, #tpu.memory_space<hbm>> -> memref<1x4096xf32, #tpu.memory_space<hbm>>
    %dma_start3A_731 = tpu.memref_squeeze %dma_start3A_730 : memref<1x4096xf32, #tpu.memory_space<hbm>> -> memref<4096xf32, #tpu.memory_space<hbm>>
    %dma_start3A_732 = arith.constant 8192 : i32
    %dma_start3A_733 = tpu.memref_slice %arg5[%add3A_724, %dma_start3A_732] : memref<65x16384xf32, #tpu.memory_space<hbm>> -> memref<1x4096xf32, #tpu.memory_space<hbm>>
    %dma_start3A_734 = tpu.memref_squeeze %dma_start3A_733 : memref<1x4096xf32, #tpu.memory_space<hbm>> -> memref<4096xf32, #tpu.memory_space<hbm>>
    %dma_start3A_735 = arith.constant 0 : i32
    %dma_start3A_736 = tpu.memref_slice %arg8[%dma_start3A_725, %dma_start3A_735] : memref<2x4096xf32, #tpu.memory_space<vmem>> -> memref<1x4096xf32, #tpu.memory_space<vmem>>
    %dma_start3A_737 = tpu.memref_squeeze %dma_start3A_736 : memref<1x4096xf32, #tpu.memory_space<vmem>> -> memref<4096xf32, #tpu.memory_space<vmem>>
    tpu.enqueue_dma source(%dma_start3A_737 : memref<4096xf32, #tpu.memory_space<vmem>>) target(%dma_start3A_734 : memref<4096xf32, #tpu.memory_space<hbm>>) target_semaphore(%arg11 : memref<!tpu.dma_semaphore, #tpu.memory_space<semaphore_mem>>)
    %dma_wait3A_738 = arith.constant 1 : i32
    %dma_wait3A_739 = arith.constant 0 : i32
    %dma_wait3A_740 = tpu.memref_slice %arg8[%dma_wait3A_738, %dma_wait3A_739] : memref<2x4096xf32, #tpu.memory_space<vmem>> -> memref<1x4096xf32, #tpu.memory_space<vmem>>
    %dma_wait3A_741 = tpu.memref_squeeze %dma_wait3A_740 : memref<1x4096xf32, #tpu.memory_space<vmem>> -> memref<4096xf32, #tpu.memory_space<vmem>>
    %dma_wait3A_742 = arith.constant 4096 : i32
    %dma_wait3A_743 = tpu.memref_slice %arg5[%add3A_693, %dma_wait3A_742] : memref<65x16384xf32, #tpu.memory_space<hbm>> -> memref<1x4096xf32, #tpu.memory_space<hbm>>
    %dma_wait3A_744 = tpu.memref_squeeze %dma_wait3A_743 : memref<1x4096xf32, #tpu.memory_space<hbm>> -> memref<4096xf32, #tpu.memory_space<hbm>>
    %dma_wait3A_745 = arith.constant 4096 : i32
    %dma_wait3A_746 = tpu.memref_slice %arg5[%add3A_693, %dma_wait3A_745] : memref<65x16384xf32, #tpu.memory_space<hbm>> -> memref<1x4096xf32, #tpu.memory_space<hbm>>
    %dma_wait3A_747 = tpu.memref_squeeze %dma_wait3A_746 : memref<1x4096xf32, #tpu.memory_space<hbm>> -> memref<4096xf32, #tpu.memory_space<hbm>>
    %dma_wait3A_748 = arith.constant 0 : i32
    %dma_wait3A_749 = tpu.memref_slice %arg8[%dma_wait3A_738, %dma_wait3A_748] : memref<2x4096xf32, #tpu.memory_space<vmem>> -> memref<1x4096xf32, #tpu.memory_space<vmem>>
    %dma_wait3A_750 = tpu.memref_squeeze %dma_wait3A_749 : memref<1x4096xf32, #tpu.memory_space<vmem>> -> memref<4096xf32, #tpu.memory_space<vmem>>
    tpu.wait_dma2 semaphore(%arg12 : memref<!tpu.dma_semaphore, #tpu.memory_space<semaphore_mem>>) src(%dma_wait3A_750 : memref<4096xf32, #tpu.memory_space<vmem>>) dst(%dma_wait3A_747 : memref<4096xf32, #tpu.memory_space<hbm>>)
    %parallel_loop3A_751 = arith.constant 0 : i32
    %parallel_loop3A_752 = arith.constant 4096 : i32
    %parallel_loop3A_753 = arith.constant 16 : i32
    scf.for %parallel_loop3A_795 = %parallel_loop3A_751 to %parallel_loop3A_752 step %parallel_loop3A_753  : i32 {
      %parallel_loop3A_796 = arith.constant 12288 : i32
      %parallel_loop3A_797 = arith.addi %parallel_loop3A_796, %parallel_loop3A_795 : i32
      %parallel_loop3A_798 = arith.index_cast %parallel_loop3A_797 : i32 to index
      %parallel_loop3A_799 = tpu.vector_load %arg7[%parallel_loop3A_798] {strides = array<i32>} : memref<16384xi32, #tpu.memory_space<vmem>>, vector<16xi32>,
      %parallel_loop3A_800 = tpu.vector_load_idx %arg6[%parallel_loop3A_799] : memref<100001xf32, #tpu.memory_space<vmem>>[vector<16xi32>], vector<16xf32>,
      %parallel_loop3A_801 = arith.constant 1 : i32
      %parallel_loop3A_802 = arith.index_cast %parallel_loop3A_801 : i32 to index
      %parallel_loop3A_803 = arith.index_cast %parallel_loop3A_795 : i32 to index
      %parallel_loop3A_804 = tpu.vector_load %arg8[%parallel_loop3A_802, %parallel_loop3A_803] {strides = array<i32>} : memref<2x4096xf32, #tpu.memory_space<vmem>>, vector<16xf32>,
      tpu.vector_store %arg8[%parallel_loop3A_802, %parallel_loop3A_803], %parallel_loop3A_800 {strides = array<i32>} : memref<2x4096xf32, #tpu.memory_space<vmem>>, vector<16xf32>,
    } {sc.loop_unroll_factor = 8 : i64, sc.parallel_access}
    %add3A_754 = arith.constant 32 : i32
    %add3A_755 = arith.addi %add3A_754, %add3A : i32
    %dma_start3A_756 = arith.constant 1 : i32
    %dma_start3A_757 = arith.constant 0 : i32
    %dma_start3A_758 = tpu.memref_slice %arg8[%dma_start3A_756, %dma_start3A_757] : memref<2x4096xf32, #tpu.memory_space<vmem>> -> memref<1x4096xf32, #tpu.memory_space<vmem>>
    %dma_start3A_759 = tpu.memref_squeeze %dma_start3A_758 : memref<1x4096xf32, #tpu.memory_space<vmem>> -> memref<4096xf32, #tpu.memory_space<vmem>>
    %dma_start3A_760 = arith.constant 12288 : i32
    %dma_start3A_761 = tpu.memref_slice %arg5[%add3A_755, %dma_start3A_760] : memref<65x16384xf32, #tpu.memory_space<hbm>> -> memref<1x4096xf32, #tpu.memory_space<hbm>>
    %dma_start3A_762 = tpu.memref_squeeze %dma_start3A_761 : memref<1x4096xf32, #tpu.memory_space<hbm>> -> memref<4096xf32, #tpu.memory_space<hbm>>
    %dma_start3A_763 = arith.constant 12288 : i32
    %dma_start3A_764 = tpu.memref_slice %arg5[%add3A_755, %dma_start3A_763] : memref<65x16384xf32, #tpu.memory_space<hbm>> -> memref<1x4096xf32, #tpu.memory_space<hbm>>
    %dma_start3A_765 = tpu.memref_squeeze %dma_start3A_764 : memref<1x4096xf32, #tpu.memory_space<hbm>> -> memref<4096xf32, #tpu.memory_space<hbm>>
    %dma_start3A_766 = arith.constant 0 : i32
    %dma_start3A_767 = tpu.memref_slice %arg8[%dma_start3A_756, %dma_start3A_766] : memref<2x4096xf32, #tpu.memory_space<vmem>> -> memref<1x4096xf32, #tpu.memory_space<vmem>>
    %dma_start3A_768 = tpu.memref_squeeze %dma_start3A_767 : memref<1x4096xf32, #tpu.memory_space<vmem>> -> memref<4096xf32, #tpu.memory_space<vmem>>
    tpu.enqueue_dma source(%dma_start3A_768 : memref<4096xf32, #tpu.memory_space<vmem>>) target(%dma_start3A_765 : memref<4096xf32, #tpu.memory_space<hbm>>) target_semaphore(%arg12 : memref<!tpu.dma_semaphore, #tpu.memory_space<semaphore_mem>>)
    %dma_wait3A_769 = arith.constant 0 : i32
    %dma_wait3A_770 = arith.constant 0 : i32
    %dma_wait3A_771 = tpu.memref_slice %arg8[%dma_wait3A_769, %dma_wait3A_770] : memref<2x4096xf32, #tpu.memory_space<vmem>> -> memref<1x4096xf32, #tpu.memory_space<vmem>>
    %dma_wait3A_772 = tpu.memref_squeeze %dma_wait3A_771 : memref<1x4096xf32, #tpu.memory_space<vmem>> -> memref<4096xf32, #tpu.memory_space<vmem>>
    %dma_wait3A_773 = arith.constant 8192 : i32
    %dma_wait3A_774 = tpu.memref_slice %arg5[%add3A_724, %dma_wait3A_773] : memref<65x16384xf32, #tpu.memory_space<hbm>> -> memref<1x4096xf32, #tpu.memory_space<hbm>>
    %dma_wait3A_775 = tpu.memref_squeeze %dma_wait3A_774 : memref<1x4096xf32, #tpu.memory_space<hbm>> -> memref<4096xf32, #tpu.memory_space<hbm>>
    %dma_wait3A_776 = arith.constant 8192 : i32
    %dma_wait3A_777 = tpu.memref_slice %arg5[%add3A_724, %dma_wait3A_776] : memref<65x16384xf32, #tpu.memory_space<hbm>> -> memref<1x4096xf32, #tpu.memory_space<hbm>>
    %dma_wait3A_778 = tpu.memref_squeeze %dma_wait3A_777 : memref<1x4096xf32, #tpu.memory_space<hbm>> -> memref<4096xf32, #tpu.memory_space<hbm>>
    %dma_wait3A_779 = arith.constant 0 : i32
    %dma_wait3A_780 = tpu.memref_slice %arg8[%dma_wait3A_769, %dma_wait3A_779] : memref<2x4096xf32, #tpu.memory_space<vmem>> -> memref<1x4096xf32, #tpu.memory_space<vmem>>
    %dma_wait3A_781 = tpu.memref_squeeze %dma_wait3A_780 : memref<1x4096xf32, #tpu.memory_space<vmem>> -> memref<4096xf32, #tpu.memory_space<vmem>>
    tpu.wait_dma2 semaphore(%arg11 : memref<!tpu.dma_semaphore, #tpu.memory_space<semaphore_mem>>) src(%dma_wait3A_781 : memref<4096xf32, #tpu.memory_space<vmem>>) dst(%dma_wait3A_778 : memref<4096xf32, #tpu.memory_space<hbm>>)
    %dma_wait3A_782 = arith.constant 1 : i32
    %dma_wait3A_783 = arith.constant 0 : i32
    %dma_wait3A_784 = tpu.memref_slice %arg8[%dma_wait3A_782, %dma_wait3A_783] : memref<2x4096xf32, #tpu.memory_space<vmem>> -> memref<1x4096xf32, #tpu.memory_space<vmem>>
    %dma_wait3A_785 = tpu.memref_squeeze %dma_wait3A_784 : memref<1x4096xf32, #tpu.memory_space<vmem>> -> memref<4096xf32, #tpu.memory_space<vmem>>
    %dma_wait3A_786 = arith.constant 12288 : i32
    %dma_wait3A_787 = tpu.memref_slice %arg5[%add3A_755, %dma_wait3A_786] : memref<65x16384xf32, #tpu.memory_space<hbm>> -> memref<1x4096xf32, #tpu.memory_space<hbm>>
    %dma_wait3A_788 = tpu.memref_squeeze %dma_wait3A_787 : memref<1x4096xf32, #tpu.memory_space<hbm>> -> memref<4096xf32, #tpu.memory_space<hbm>>
    %dma_wait3A_789 = arith.constant 12288 : i32
    %dma_wait3A_790 = tpu.memref_slice %arg5[%add3A_755, %dma_wait3A_789] : memref<65x16384xf32, #tpu.memory_space<hbm>> -> memref<1x4096xf32, #tpu.memory_space<hbm>>
    %dma_wait3A_791 = tpu.memref_squeeze %dma_wait3A_790 : memref<1x4096xf32, #tpu.memory_space<hbm>> -> memref<4096xf32, #tpu.memory_space<hbm>>
    %dma_wait3A_792 = arith.constant 0 : i32
    %dma_wait3A_793 = tpu.memref_slice %arg8[%dma_wait3A_782, %dma_wait3A_792] : memref<2x4096xf32, #tpu.memory_space<vmem>> -> memref<1x4096xf32, #tpu.memory_space<vmem>>
    %dma_wait3A_794 = tpu.memref_squeeze %dma_wait3A_793 : memref<1x4096xf32, #tpu.memory_space<vmem>> -> memref<4096xf32, #tpu.memory_space<vmem>>
    tpu.wait_dma2 semaphore(%arg12 : memref<!tpu.dma_semaphore, #tpu.memory_space<semaphore_mem>>) src(%dma_wait3A_794 : memref<4096xf32, #tpu.memory_space<vmem>>) dst(%dma_wait3A_791 : memref<4096xf32, #tpu.memory_space<hbm>>)
    return
  }
}

module attributes {stable_mosaic.version = 14 : i64} {
  func.func @body(%arg0: i32, %arg1: memref<65x8192xf32, #tpu.memory_space<vmem>>, %arg2: memref<65x8192xf32, #tpu.memory_space<vmem>>) attributes {dimension_semantics = [#tpu.dimension_semantics<arbitrary>], iteration_bounds = array<i64: 2>, scalar_prefetch = 0 : i64, scratch_operands = 0 : i64, tpu.core_type = #tpu.core_type<tc>, window_params = [{transform_indices = @transform_0, window_bounds = array<i64: 65, 8192>}, {transform_indices = @transform_1, window_bounds = array<i64: 65, 8192>}]} {
    %get3A = arith.constant 0 : index
    %get3A_0 = arith.constant 0 : index
    %get3A_1 = vector.load %arg1[%get3A, %get3A_0] : memref<65x8192xf32, #tpu.memory_space<vmem>>, vector<65x8192xf32>
    %reduce_max3A = arith.constant dense<0xFF800000> : vector<8192xf32>
    %reduce_max3A_2 = vector.multi_reduction <maximumf>, %get3A_1, %reduce_max3A [0] : vector<65x8192xf32> to vector<8192xf32>
    %broadcast_in_dim3A = vector.shape_cast %reduce_max3A_2 : vector<8192xf32> to vector<1x8192xf32>
    %sub3A = vector.broadcast %broadcast_in_dim3A : vector<1x8192xf32> to vector<65x8192xf32>
    %sub3A_3 = arith.subf %get3A_1, %sub3A : vector<65x8192xf32>
    %exp3A = math.exp %sub3A_3 : vector<65x8192xf32>
    %reduce_sum3A = arith.constant dense<0.000000e+00> : vector<8192xf32>
    %reduce_sum3A_4 = vector.multi_reduction <add>, %exp3A, %reduce_sum3A [0] : vector<65x8192xf32> to vector<8192xf32>
    %broadcast_in_dim3A_5 = vector.shape_cast %reduce_sum3A_4 : vector<8192xf32> to vector<1x8192xf32>
    %sub3A_6 = vector.broadcast %broadcast_in_dim3A : vector<1x8192xf32> to vector<65x8192xf32>
    %sub3A_7 = arith.subf %get3A_1, %sub3A_6 : vector<65x8192xf32>
    %log3A = math.log %broadcast_in_dim3A_5 : vector<1x8192xf32>
    %sub3A_8 = vector.broadcast %log3A : vector<1x8192xf32> to vector<65x8192xf32>
    %sub3A_9 = arith.subf %sub3A_7, %sub3A_8 : vector<65x8192xf32>
    %swap3A = arith.constant 0 : index
    %swap3A_10 = arith.constant 0 : index
    %swap3A_11 = vector.load %arg2[%swap3A, %swap3A_10] : memref<65x8192xf32, #tpu.memory_space<vmem>>, vector<65x8192xf32>
    tpu.vector_store %arg2[%swap3A, %swap3A_10], %sub3A_9 {strides = array<i32>} : memref<65x8192xf32, #tpu.memory_space<vmem>>, vector<65x8192xf32>,
    return
  }
  func.func @transform_0(%arg0: i32) -> (i32, i32) {
    %c0_i32 = arith.constant 0 : i32
    %c0_i32_0 = arith.constant 0 : i32
    return %c0_i32, %arg0 : i32, i32
  }
  func.func @transform_1(%arg0: i32) -> (i32, i32) {
    %c0_i32 = arith.constant 0 : i32
    %c0_i32_0 = arith.constant 0 : i32
    return %c0_i32, %arg0 : i32, i32
  }
}

</mosaic_0001>

<sc_bundles>
// kernel: kernel.4.cloned.1.call-start
scs
__scs_entry_jumppad:
0x0: {  	(pc) =	sbr.rel $0x88, $3  }
0x1: {  	(tag) =	ssettag $0x0;
	lr =	simm.s32 $0x1  }
0x2: {  	[smem:$0x3F9F] =	sst lr;
	_ =	strace $0xD0000000  }
0x3: {  	_ = 	snop  }
0x4: {  	_ = 	snop  }
0x5: {  	_ = 	snop  }
0x6: {  	_ = 	snop  }
0x7: {  	_ = 	snop  }
__scs_overlays_trampoline_lowered:
0x8: {  	[smem:$0x3FAE] =	sst s0  }
0x9: {  	[smem:$0x3FAF] =	sst s1  }
0xa: {  	[smem:$0x3FB0] =	sst s2  }
0xb: {  	[smem:$0x3FB1] =	sst s3  }
0xc: {  	[smem:$0x3FB2] =	sst s4  }
0xd: {  	[smem:$0x3FB3] =	sst s5  }
0xe: {  	[smem:$0x3FB4] =	sst s6  }
0xf: {  	[smem:$0x3FB5] =	sst s7  }
0x10: {  	[smem:$0x3FB6] =	sst s8  }
0x11: {  	[smem:$0x3FB7] =	sst s9;
	s0 =	simm.s32 @!p0 $0x0  }
0x12: {  	s1 =	sld [smem:$0x3F9D];
	s0 =	simm.s32 @p0 $0x1  }
0x13: {  	[smem:$0x3FB8] =	sst s0;
	s0 =	simm.s32 @!p1 $0x0  }
0x14: {  	s2 =	sld [smem:$0x3F9C];
	s0 =	simm.s32 @p1 $0x1  }
0x15: {  	[smem:$0x3FB9] =	sst s0;
	s0 =	simm.s32 @!p2 $0x0  }
0x16: {  	s3 =	sld [smem:$0x3FDB];
	s0 =	simm.s32 @p2 $0x1  }
0x17: {  	s4 =	simm.s32 $0x1BF5;
	[smem:$0x3FBB] =	sst s0  }
0x18: {  	s0 =	sld [smem:$0x3F9E];
	_ =	swait.ge [sflag:s4], $0x0  }
0x19: {  	s7 =	sld [smem:$0x3F9F]  }
0x1a: {  	s8 =	sadd.s32 $0xFFFFE003, lr  }
0x1b: {  	s9 =	sadd.s32 $0xFFFFFEF7, lr;
	s5 =	simm.s32 $0xFFFFFFFF;
	p2 =	slt.u32 s8, $0xFFFFF086  }
0x1c: {  	p1 =	slt.u32 s9, $0xF7A;
	s5 =	simm.s32 @!p2 $0x0  }
0x1d: {  	s5 =	simm.s32 @p1 $0x1;
	p0 =	seq.s32 s7, s2  }
0x1e: {  	s7 =	smul.u32 @!p0 $0xF7A, s2;
	p2 =	seq.s32 @!p0 s5, $0x0  }
0x1f: {  	s9 =	smul.u32 $0xF7A, s1;
	s8 =	simm.s32 @!p0 $0x1BF5;
	p2 =	por !p2, p0  }
0x20: {  	[sflag:s8] =	ssyncset.s32 @!p0 $0xFFFFF086;
	s6 =	sadd.s32 @!p0 s3, s7;
	s7 =	simm.s32 @!p0 $0x108  }
0x21: {  	s3 =	sadd.s32 s3, s9;
	s6 =	sadd.s32 @!p0 $0x88, s6;
	s7 =	simm.s32 @p2 $0x1082  }
0x22: {  	[simem:s7], [sflag:s8] =	dma.local @!p0 [hbm:s6], $0xF7A  }
0x23: {  	s9 =	sor.u32 $0xD0000000, s2;
	s6 =	simm.s32 $0x108;
	_ =	swait.ge @!p0 [sflag:s8], $0x0  }
0x24: {  	s3 =	sadd.s32 $0x88, s3;
	s6 =	simm.s32 @!p1 $0x1082;
	[sflag:s4] =	ssyncset.s32 $0xFFFFF086  }
0x25: {  	[simem:s6], [sflag:s4] =	dma.local [hbm:s3], $0xF7A  }
0x26: {  	[smem:$0x3F9F] =	sst s1;
	(tag) =	ssettag s2;
	_ =	strace s9  }
0x27: {  	s1 =	sld [smem:$0x3FAF]  }
0x28: {  	s2 =	sld [smem:$0x3FB0]  }
0x29: {  	s4 =	sld [smem:$0x3FB2]  }
0x2a: {  	p0 =	seq.s32 s5, $0x0;
	s5 =	sld [smem:$0x3FB3]  }
0x2b: {  	s6 =	sld [smem:$0x3FB4]  }
0x2c: {  	s7 =	sld [smem:$0x3FB5]  }
0x2d: {  	s3 =	simm.s32 $0x108;
	s8 =	sld [smem:$0x3FB6]  }
0x2e: {  	s3 =	simm.s32 @!p0 $0x1082;
	s9 =	sld [smem:$0x3FB7]  }
0x2f: {  	lr =	sadd.s32 s0, s3;
	s0 =	sld [smem:$0x3FAE]  }
0x30: {  	s3 =	sld [smem:$0x3FB1]  }
0x31: {  	[smem:$0x3FBA] =	sst s10  }
0x32: {  	s10 =	sld [smem:$0x3FB8];
	_ =	sdelay $0x3  }
0x33: {  	p0 =	seq.s32 s10, $0x1;
	s10 =	sld [smem:$0x3FBA];
	_ =	sdelay $0x3  }
0x34: {  	[smem:$0x3FBA] =	sst s10  }
0x35: {  	s10 =	sld [smem:$0x3FB9];
	_ =	sdelay $0x3  }
0x36: {  	p1 =	seq.s32 s10, $0x1;
	s10 =	sld [smem:$0x3FBA];
	_ =	sdelay $0x3  }
0x37: {  	[smem:$0x3FBA] =	sst s10  }
0x38: {  	s10 =	sld [smem:$0x3FBB]  }
0x39: {  	_ = 	snop;
	(pc) =	sbr.ind lr, $3  }
0x3a: {  	_ = 	snop  }
0x3b: {  	_ = 	snop  }
0x3c: {  	p2 =	seq.s32 s10, $0x1;
	s10 =	sld [smem:$0x3FBA]  }
0x3d: {  	_ =	shalt  }
0x3e: {  	_ =	shalt  }
0x3f: {  	_ =	shalt  }
0x40: {  	_ =	shalt  }
0x41: {  	_ =	shalt  }
0x42: {  	_ =	shalt  }
0x43: {  	_ =	shalt  }
0x44: {  	_ =	shalt  }
0x45: {  	_ =	shalt  }
0x46: {  	_ =	shalt  }
0x47: {  	_ =	shalt  }
0x48: {  	_ =	shalt  }
0x49: {  	_ =	shalt  }
0x4a: {  	_ =	shalt  }
0x4b: {  	_ =	shalt  }
0x4c: {  	_ =	shalt  }
0x4d: {  	_ =	shalt  }
0x4e: {  	_ =	shalt  }
0x4f: {  	_ =	shalt  }
0x50: {  	_ =	shalt  }
0x51: {  	_ =	shalt  }
0x52: {  	_ =	shalt  }
0x53: {  	_ =	shalt  }
0x54: {  	_ =	shalt  }
0x55: {  	_ =	shalt  }
0x56: {  	_ =	shalt  }
0x57: {  	_ =	shalt  }
0x58: {  	_ =	shalt  }
0x59: {  	_ =	shalt  }
0x5a: {  	_ =	shalt  }
0x5b: {  	_ =	shalt  }
0x5c: {  	_ =	shalt  }
0x5d: {  	_ =	shalt  }
0x5e: {  	_ =	shalt  }
0x5f: {  	_ =	shalt  }
0x60: {  	_ =	shalt  }
0x61: {  	_ =	shalt  }
0x62: {  	_ =	shalt  }
0x63: {  	_ =	shalt  }
0x64: {  	_ =	shalt  }
0x65: {  	_ =	shalt  }
0x66: {  	_ =	shalt  }
0x67: {  	_ =	shalt  }
0x68: {  	_ =	shalt  }
0x69: {  	_ =	shalt  }
0x6a: {  	_ =	shalt  }
0x6b: {  	_ =	shalt  }
0x6c: {  	_ =	shalt  }
0x6d: {  	_ =	shalt  }
0x6e: {  	_ =	shalt  }
0x6f: {  	_ =	shalt  }
0x70: {  	_ =	shalt  }
0x71: {  	_ =	shalt  }
0x72: {  	_ =	shalt  }
0x73: {  	_ =	shalt  }
0x74: {  	_ =	shalt  }
0x75: {  	_ =	shalt  }
0x76: {  	_ =	shalt  }
0x77: {  	_ =	shalt  }
0x78: {  	_ =	shalt  }
0x79: {  	_ =	shalt  }
0x7a: {  	_ =	shalt  }
0x7b: {  	_ =	shalt  }
0x7c: {  	_ =	shalt  }
0x7d: {  	_ =	shalt  }
0x7e: {  	_ =	shalt  }
0x7f: {  	_ =	shalt  }
0x80: {  	_ =	shalt  }
0x81: {  	_ =	shalt  }
0x82: {  	_ =	shalt  }
0x83: {  	_ =	shalt  }
0x84: {  	_ =	shalt  }
0x85: {  	_ =	shalt  }
0x86: {  	_ =	shalt  }
0x87: {  	_ =	shalt  }
.Lfunc_end0:
.L_simem_size_0:
called_computation_lowered:
.L_overlay_start_0:
0x88: {  	s2 =	sld [smem:$0x3FD9]  }
0x89: {  	s3 =	sld [smem:$0x3FFE];
	_ =	sdelay $0x1  }
0x8a: {  	s1 =	srdreg.scid  }
0x8b: {  	s0 =	sand.u32 $0x1, s1  }
0x8c: {  	s17 =	sshll.u32 s0, $0xA;
	s2 =	sadd.s32 s3, s2  }
0x8d: {  	s2 =	sadd.s32 s2, s17  }
0x8e: {  	[smem:$0x3FC6] =	sst s2  }
0x8f: {  	_ = 	snop  }
0x90: {  	s2 =	sld [smem:$0x3FC9]  }
0x91: {  	s18 =	sld [smem:$0x3FC8]  }
0x92: {  	s4 =	sld [smem:$0x3FD0];
	(tm) =	ssettm $0x1  }
0x93: {  	s5 =	sld [smem:$0x3FFB];
	_ =	sdelay $0x3  }
0x94: {  	_ =	strace s5  }
0x95: {  	s5 =	sld [smem:$0x3FFC];
	_ =	sdelay $0x3  }
0x96: {  	_ =	strace s5  }
0x97: {  	s5 =	sld [smem:$0x3FFD];
	_ =	sdelay $0x3  }
0x98: {  	_ =	strace s5  }
0x99: {  	_ =	strace $0x8FFFFFFF  }
0x9a: {  	s19 =	sld [smem:$0x3FDB];
	_ =	sdelay $0x1  }
0x9b: {  	s6 =	simm.s32 $_scs_section_size  }
0x9c: {  	s7 =	simm.s32 $_size__tile_overlayer_lowered;
	s8 =	simm.s32 $_tile_overlayer_lowered  }
0x9d: {  	s22 =	simm.s32 $0x1BFF;
	s21 =	sshll.u32 s8, $0x1;
	s5 =	sadd.s32 s6, s19  }
0x9e: {  	s9 =	simm.s32 $0x0;
	s20 =	sshll.u32 s7, $0x1;
	s7 =	sadd.s32 s21, s5  }
0x9f: {  	[timem:s9], [sflag:s22] =	dma.local [hbm:s7], s20  }
0xa0: {  	_ =	swait.ge [sflag:s22], s20  }
0xa1: {  	s6 =	ssub.s32 $0x0, s20;
	[sflag:s22] =	ssyncset.done $0x0  }
0xa2: {  	[sflag:s22] =	ssyncadd.s32 s6;
	_ =	sdelay $0x1  }
0xa3: {  	s23 =	simm.s32 $0x1B8B  }
0xa4: {  	_ =	swait.ge [sflag:s23], $0x1  }
0xa5: {  	[sflag:s23] =	ssyncset.done $0x0  }
0xa6: {  	s25 =	simm.s32 $0x1B8E;
	s24 =	sld [smem:$0x3FFE];
	[sflag:s23] =	ssyncadd.s32 $0xFFFFFFFF  }
0xa7: {  	s26 =	simm.s32 $execute0_lowered;
	[smem:$0x3FD2] =	sst s25  }
0xa8: {  	s7 =	sshll.u32 s26, $0x1;
	_ =	strace $0x80000046;
	[dreg:$0x1] =	wrdreg $0xFFFFFFFF  }
0xa9: {  	s28 =	simm.s32 $_size_execute0_lowered;
	s5 =	sadd.s32 s5, s7;
	[dreg:$0x0] =	wrdreg $0x0  }
0xaa: {  	s7 =	sshll.u32 s28, $0x1;
	[dreg:$0x2] =	wrdreg s5  }
0xab: {  	[dreg:$0x3] =	wrdreg s7  }
0xac: {  	[dreg:$0x4] =	wrdreg $0xC0  }
0xad: {  	_ =	task [dreg:s9], $0x5FFFF  }
0xae: {  	[dreg:$0x1] =	wrdreg $0xFFFFFFFF  }
0xaf: {  	[dreg:$0x0] =	wrdreg $0x60  }
0xb0: {  	[dreg:$0x2] =	wrdreg s2  }
0xb1: {  	[dreg:$0x3] =	wrdreg s24  }
0xb2: {  	[dreg:$0x4] =	wrdreg s18  }
0xb3: {  	[dreg:$0x5] =	wrdreg s4  }
0xb4: {  	[dreg:$0x6] =	wrdreg $0x9  }
0xb5: {  	_ =	task.clear_ibuf [dreg:s9], $0x7FFFF;
	_ =	strace $0x90000046  }
0xb6: {  	s29 =	simm.s32 $0x9;
	_ =	strace $0x80000048  }
0xb7: {  	_ =	swait.ge [sflag:s29], $0x1  }
0xb8: {  	[sflag:s29] =	ssyncadd.s32 $0xFFFFFFFF  }
0xb9: {  	_ =	strace $0x90000048  }
0xba: {  	_ =	sfence  }
0xbb: {  	s30 =	sld [smem:$0x0];
	_ =	sdelay $0x2  }
0xbc: {  	s31 =	sshll.u32 s1, $0xD;
	s1 =	sshrl.u32 s1, $0x2  }
0xbd: {  	s3 =	sand.u32 $0x4000, s31;
	s1 =	sadd.s32 s1, s30  }
0xbe: {  	s0 =	sor.u32 s3, s0;
	s1 =	sshll.u32 s1, $0x11  }
0xbf: {  	s0 =	sor.u32 s1, s0  }
0xc0: {  	s0 =	sadd.s32 $0x8F2B, s0  }
0xc1: {  	[sflag:s0] =	ssyncadd.remote.s32 $0x1  }
0xc2: {  	_ =	sfence.sel $0xFFFF  }
0xc3: {  	[dreg:$0x0] =	wrdreg $0xFFFFFFFF;
	(pc) =	sbr.abs _section_cstart, $3  }
0xc4: {  	[dreg:$0x1] =	wrdreg $0xFFFFFFFF  }
0xc5: {  	_ =	task.clear_ibuf [dreg:s9], $0x2FFFF;
	_ =	strace $0x9FFFFFFF  }
0xc6: {  	(tm) =	ssettm $0x7FFFFFFF  }
0xc7: {  	_ =	shalt  }
tec
execute0_lowered:
.L_overlay_start_1:
0x0: {  	(tag) =	ssettag $0x1  }
0x1: {  	s0 =	rddreg [dreg:$0x0]  }
0x2: {  	s1 =	rddreg [dreg:$0x1]  }
0x3: {  	s2 =	rddreg [dreg:$0x3]  }
0x4: {  	s3 =	srdreg.scid;
	s6 =	stileid.u32;
	s28 =	simm.s32 $0x5  }
0x5: {  	s29 =	simm.s32 $0x1EA00;
	s31 =	simm.s32 $0x4;
	s4 =	sand.u32 $0x1, s3  }
0x6: {  	s5 =	sshll.u32 s6, $0x1;
	s3 =	simm.s32 $0x0;
	s7 =	sshrl.u32 s6, $0x2  }
0x7: {  	s17 =	sadd.s32 $0x1000, s2;
	s18 =	sadd.s32 $0x2000, s2;
	s19 =	sadd.s32 $0x3000, s2  }
0x8: {  	s30 =	sadd.s32 $0x20000, s2;
	s5 =	sor.u32 s4, s5;
	[smem:$0x7FF] =	sst s3  }
0x9: {  	s8 =	smul.u32 $0xC3800, s7;
	s9 =	ssub.s32 $0x2, s4;
	s4 =	sadd.s32 $0x200, s1  }
0xa: {  	s24 =	sshll.u32 s7, $0x11;
	s13 =	sor.u32 $0x4, s7;
	s21 =	sshll.u32 s5, $0x7  }
0xb: {  	_ =	strace $0x80000047;
	s22 =	sshrl.u32 s9, $0x1;
	s23 =	sshll.u32 s5, $0x2  }
0xc: {  	s25 =	smul.u32 $0xC3800, s13;
	s26 =	sshll.u32 s13, $0x11;
	s11 =	sand.u32 $0x380, s21  }
0xd: {  	s1 =	ssub.s32 s9, s22;
	s12 =	sor.u32 $0x1, s23;
	s14 =	sor.u32 $0x2, s23  }
0xe: {  	s6 =	sor.u32 s8, s11;
	s20 =	sshll.u32 s12, $0x9;
	s23 =	sshll.u32 s14, $0x9  }
0xf: {  	s8 =	sor.u32 s24, s11;
	s15 =	sor.u32 s25, s11;
	s12 =	sshll.u32 s12, $0x7  }
0x10: {  	s21 =	sshll.u32 s14, $0x7;
	s22 =	smax.u32 s1, $0x1;
	s1 =	simm.s32 $0x1  }
0x11: {  	s6 =	sshrl.u32 s6, $0x3;
	s10 =	sshrl.u32 s8, $0x3;
	s15 =	sshrl.u32 s15, $0x3  }
0x12: {  	s13 =	sadd.s32 s12, s30;
	s14 =	sadd.s32 s21, s30;
	[dreg:$0x7] =	wrdreg s22  }
0x13: {  	s21 =	simm.s32 $0x80;
	s22 =	simm.s32 $0x400;
	s25 =	sshrl.u32 s20, $0x2  }
0x14: {  	s12 =	simm.s32 $0x1EA80;
	s20 =	simm.s32 $0x0;
	s6 =	sadd.s32 s0, s6  }
0x15: {  	s7 =	sadd.s32 s2, s10;
	s8 =	sadd.s32 s10, s17;
	s9 =	sadd.s32 s10, s18  }
0x16: {  	s10 =	sadd.s32 s10, s19;
	s0 =	sadd.s32 s0, s15;
	[dreg:$0x8] =	wrdreg s25  }
0x17: {  	[dreg:$0x5] =	wrdreg s6;
	s6 =	sshll.u32 s5, $0x9;
	s5 =	sshllo.u32 s5, $0x2  }
0x18: {  	[dreg:$0x6] =	wrdreg s0;
	s0 =	sor.u32 s26, s11;
	s26 =	sshrl.u32 s23, $0x2  }
0x19: {  	s11 =	simm.s32 $0x20000;
	s24 =	sshll.u32 s5, $0x9;
	s16 =	sadd.s32 s6, s30  }
0x1a: {  	s5 =	sshll.u32 s5, $0x7;
	s0 =	sshrl.u32 s0, $0x3;
	[dreg:$0x9] =	wrdreg s26  }
0x1b: {  	s26 =	simm.s32 $0x2;
	[dreg:$0xb] =	wrdreg s16;
	s15 =	sadd.s32 s5, s30  }
0x1c: {  	s16 =	sadd.s32 s2, s0;
	s17 =	sadd.s32 s0, s17;
	s18 =	sadd.s32 s0, s18  }
0x1d: {  	s19 =	sadd.s32 s0, s19;
	s30 =	sshrl.u32 s24, $0x2;
	s0 =	simm.s32 $0x1E900  }
0x1e: {  	s2 =	simm.s32 $0x1E980;
	s5 =	simm.s32 $0x3;
	[dreg:$0xa] =	wrdreg s30  }
.LBB2_1:
0x1f: {  	s23 =	rddreg [dreg:$0x5]  }
0x20: {  	[tilespmem:s3], [sflag:$0x4] =	stream.strided.gather [hbm4b:s23+s21], $0x18700, s22, s21, $0x38;
	[tilespmem:$0x1EB00] =	vst v63  }
0x21: {  	s30 =	rddreg [dreg:$0x2];
	s24 =	simm.s32 $0x18700  }
0x22: {  	[tilespmem:s24], [sflag:$0x5] =	stream.linear.gather [hbm4b:s30+s3], $0x4000, $0x38;
	[tilespmem:$0x1EB00] =	vst v63  }
0x23: {  	_ =	swait.ge [sflag:s28], $0x4000  }
0x24: {  	[sflag:s28] =	ssyncset.done $0x0  }
0x25: {  	[sflag:s28] =	ssyncadd.s32 $0xFFFFC000  }
0x26: {  	v0 =	vld [tilespmem:s6+$0x18700];
	_ =	sdelay $0x4  }
0x27: {  	[tilespmem:$0x1E700] =	vst v0  }
0x28: {  	v0 =	vld [tilespmem:s6+$0x18710];
	_ =	sdelay $0x4  }
0x29: {  	[tilespmem:$0x1E710] =	vst v0  }
0x2a: {  	v0 =	vld [tilespmem:s6+$0x18720];
	_ =	sdelay $0x4  }
0x2b: {  	[tilespmem:$0x1E720] =	vst v0  }
0x2c: {  	v0 =	vld [tilespmem:s6+$0x18730];
	_ =	sdelay $0x4  }
0x2d: {  	[tilespmem:$0x1E730] =	vst v0  }
0x2e: {  	v0 =	vld [tilespmem:s6+$0x18740];
	_ =	sdelay $0x4  }
0x2f: {  	[tilespmem:$0x1E740] =	vst v0  }
0x30: {  	v0 =	vld [tilespmem:s6+$0x18750];
	_ =	sdelay $0x4  }
0x31: {  	[tilespmem:$0x1E750] =	vst v0  }
0x32: {  	v0 =	vld [tilespmem:s6+$0x18760];
	_ =	sdelay $0x4  }
0x33: {  	[tilespmem:$0x1E760] =	vst v0  }
0x34: {  	v0 =	vld [tilespmem:s6+$0x18770];
	_ =	sdelay $0x4  }
0x35: {  	s24 =	simm.s32 $0x1E700;
	s25 =	rddreg [dreg:$0x8];
	[tilespmem:$0x1E770] =	vst v0  }
0x36: {  	[tilespmem:s0], [sflag:$0x3] =	stream.indirect.gather [hbm4b:s4+s21], $0x1, s24, s21, $0xb8;
	[tilespmem:$0x1EB00] =	vst v63  }
0x37: {  	v0 =	vld [tilespmem:s25+$0x18700];
	_ =	sdelay $0x4  }
0x38: {  	[tilespmem:$0x1E780] =	vst v0  }
0x39: {  	v0 =	vld [tilespmem:s6+$0x18790];
	_ =	sdelay $0x4  }
0x3a: {  	[tilespmem:$0x1E790] =	vst v0  }
0x3b: {  	v0 =	vld [tilespmem:s6+$0x187A0];
	_ =	sdelay $0x4  }
0x3c: {  	[tilespmem:$0x1E7A0] =	vst v0  }
0x3d: {  	v0 =	vld [tilespmem:s6+$0x187B0];
	_ =	sdelay $0x4  }
0x3e: {  	[tilespmem:$0x1E7B0] =	vst v0  }
0x3f: {  	v0 =	vld [tilespmem:s6+$0x187C0];
	_ =	sdelay $0x4  }
0x40: {  	[tilespmem:$0x1E7C0] =	vst v0  }
0x41: {  	v0 =	vld [tilespmem:s6+$0x187D0];
	_ =	sdelay $0x4  }
0x42: {  	[tilespmem:$0x1E7D0] =	vst v0  }
0x43: {  	v0 =	vld [tilespmem:s6+$0x187E0];
	_ =	sdelay $0x4  }
0x44: {  	[tilespmem:$0x1E7E0] =	vst v0  }
0x45: {  	v0 =	vld [tilespmem:s6+$0x187F0];
	_ =	sdelay $0x4  }
0x46: {  	s30 =	simm.s32 $0x1E780;
	[tilespmem:$0x1E7F0] =	vst v0  }
0x47: {  	[tilespmem:s2], [sflag:$0x3] =	stream.indirect.gather [hbm4b:s4+s21], $0x1, s30, s21, $0xb8;
	[tilespmem:$0x1EB00] =	vst v63  }
0x48: {  	s2 =	rddreg [dreg:$0x9]  }
0x49: {  	v0 =	vld [tilespmem:s2+$0x18700];
	_ =	sdelay $0x4  }
0x4a: {  	[tilespmem:$0x1E800] =	vst v0  }
0x4b: {  	v0 =	vld [tilespmem:s6+$0x18810];
	_ =	sdelay $0x4  }
0x4c: {  	[tilespmem:$0x1E810] =	vst v0  }
0x4d: {  	v0 =	vld [tilespmem:s6+$0x18820];
	_ =	sdelay $0x4  }
0x4e: {  	[tilespmem:$0x1E820] =	vst v0  }
0x4f: {  	v0 =	vld [tilespmem:s6+$0x18830];
	_ =	sdelay $0x4  }
0x50: {  	[tilespmem:$0x1E830] =	vst v0  }
0x51: {  	v0 =	vld [tilespmem:s6+$0x18840];
	_ =	sdelay $0x4  }
0x52: {  	[tilespmem:$0x1E840] =	vst v0  }
0x53: {  	v0 =	vld [tilespmem:s6+$0x18850];
	_ =	sdelay $0x4  }
0x54: {  	[tilespmem:$0x1E850] =	vst v0  }
0x55: {  	v0 =	vld [tilespmem:s6+$0x18860];
	_ =	sdelay $0x4  }
0x56: {  	[tilespmem:$0x1E860] =	vst v0  }
0x57: {  	v0 =	vld [tilespmem:s6+$0x18870];
	_ =	sdelay $0x4  }
0x58: {  	s24 =	simm.s32 $0x1E800;
	s25 =	rddreg [dreg:$0xa];
	[tilespmem:$0x1E870] =	vst v0  }
0x59: {  	[tilespmem:s29], [sflag:$0x3] =	stream.indirect.gather [hbm4b:s4+s21], $0x1, s24, s21, $0xb8;
	[tilespmem:$0x1EB00] =	vst v63  }
0x5a: {  	v0 =	vld [tilespmem:s25+$0x18700];
	_ =	sdelay $0x4  }
0x5b: {  	[tilespmem:$0x1E880] =	vst v0  }
0x5c: {  	v0 =	vld [tilespmem:s6+$0x18890];
	_ =	sdelay $0x4  }
0x5d: {  	[tilespmem:$0x1E890] =	vst v0  }
0x5e: {  	v0 =	vld [tilespmem:s6+$0x188A0];
	_ =	sdelay $0x4  }
0x5f: {  	[tilespmem:$0x1E8A0] =	vst v0  }
0x60: {  	v0 =	vld [tilespmem:s6+$0x188B0];
	_ =	sdelay $0x4  }
0x61: {  	[tilespmem:$0x1E8B0] =	vst v0  }
0x62: {  	v0 =	vld [tilespmem:s6+$0x188C0];
	_ =	sdelay $0x4  }
0x63: {  	[tilespmem:$0x1E8C0] =	vst v0  }
0x64: {  	v0 =	vld [tilespmem:s6+$0x188D0];
	_ =	sdelay $0x4  }
0x65: {  	[tilespmem:$0x1E8D0] =	vst v0  }
0x66: {  	v0 =	vld [tilespmem:s6+$0x188E0];
	_ =	sdelay $0x4  }
0x67: {  	[tilespmem:$0x1E8E0] =	vst v0  }
0x68: {  	v0 =	vld [tilespmem:s6+$0x188F0];
	_ =	sdelay $0x4  }
0x69: {  	s29 =	simm.s32 $0x1E880;
	[tilespmem:$0x1E8F0] =	vst v0  }
0x6a: {  	[tilespmem:s12], [sflag:$0x3] =	stream.indirect.gather [hbm4b:s4+s21], $0x1, s29, s21, $0xb8;
	[tilespmem:$0x1EB00] =	vst v63  }
0x6b: {  	_ =	swait.ge [sflag:s31], $0x18700  }
0x6c: {  	[sflag:s31] =	ssyncset.done $0x0  }
0x6d: {  	s30 =	simm.s32 $0x18740;
	[sflag:s31] =	ssyncadd.s32 $0xFFFE7900  }
0x6e: {  	v0 =	vld [tilespmem:s30+$0x30]  }
0x6f: {  	v1 =	vld [tilespmem:s30+$0xFFFFFFD0]  }
0x70: {  	v2 =	vld [tilespmem:s30+$0xFFFFFFE0]  }
0x71: {  	v3 =	vld [tilespmem:s30+$0xFFFFFFF0]  }
0x72: {  	v4 =	vld [tilespmem:s30+$0x0]  }
0x73: {  	v6 =	vld [tilespmem:s30+$0x10]  }
0x74: {  	v7 =	vld [tilespmem:s30+$0x20]  }
0x75: {  	v8 =	vld [tilespmem:s30+$0xFFFFFFC0]  }
0x76: {  	v9 =	vld.idx.msk [tilespmem:v0+s3+$0x0], $0xffff  }
0x77: {  	v10 =	vld.idx.msk [tilespmem:v1+s3+$0x0], $0xffff  }
0x78: {  	v5 =	vld.idx.msk [tilespmem:v2+s3+$0x0], $0xffff  }
0x79: {  	v3 =	vld.idx.msk [tilespmem:v3+s3+$0x0], $0xffff  }
0x7a: {  	v0 =	vld.idx.msk [tilespmem:v4+s3+$0x0], $0xffff  }
0x7b: {  	s23 =	simm.s32 $0x1C740;
	v1 =	vld.idx.msk [tilespmem:v6+s3+$0x0], $0xffff  }
0x7c: {  	v2 =	vld.idx.msk [tilespmem:v7+s3+$0x0], $0xffff;
	[tilespmem:s23+$0x30] =	vst v9  }
0x7d: {  	s24 =	simm.s32 $0x0;
	s25 =	simm.s32 $0x187C0;
	v4 =	vld.idx.msk [tilespmem:v8+s3+$0x0], $0xffff;
	[tilespmem:s23+$0xFFFFFFD0] =	vst v10  }
.LBB2_2:
0x7e: {  	v6 =	vld [tilespmem:s25+$0x30];
	s24 =	sadd.s32 $0x80, s24;
	[tilespmem:s23+$0xFFFFFFE0] =	vst v5  }
0x7f: {  	v5 =	vld [tilespmem:s25+$0xFFFFFFD0];
	p0 =	slt.u32 s24, $0xF80;
	[tilespmem:s23+$0xFFFFFFF0] =	vst v3  }
0x80: {  	v3 =	vld [tilespmem:s25+$0xFFFFFFE0];
	[tilespmem:s23+$0x0] =	vst v0  }
0x81: {  	v0 =	vld [tilespmem:s25+$0xFFFFFFF0];
	[tilespmem:s23+$0x10] =	vst v1  }
0x82: {  	v1 =	vld [tilespmem:s25+$0x0];
	[tilespmem:s23+$0x20] =	vst v2  }
0x83: {  	v2 =	vld [tilespmem:s25+$0x10];
	[tilespmem:s23+$0xFFFFFFC0] =	vst v4  }
0x84: {  	v4 =	vld [tilespmem:s25+$0x20]  }
0x85: {  	v7 =	vld [tilespmem:s25+$0xFFFFFFC0]  }
0x86: {  	v6 =	vld.idx.msk [tilespmem:v6+s3+$0x0], $0xffff  }
0x87: {  	v8 =	vld.idx.msk [tilespmem:v5+s3+$0x0], $0xffff  }
0x88: {  	v5 =	vld.idx.msk [tilespmem:v3+s3+$0x0], $0xffff  }
.Ltmp0:
0x89: {  	v3 =	vld.idx.msk [tilespmem:v0+s3+$0x0], $0xffff;
	(pc) =	sbr.rel @p0 .LBB2_2-.Ltmp0, $4  }
0x8a: {  	v0 =	vld.idx.msk [tilespmem:v1+s3+$0x0], $0xffff  }
0x8b: {  	s23 =	sadd.s32 $0x100, s23;
	v1 =	vld.idx.msk [tilespmem:v2+s3+$0x0], $0xffff  }
0x8c: {  	v2 =	vld.idx.msk [tilespmem:v4+s3+$0x0], $0xffff;
	[tilespmem:s23+$0x30] =	vst v6  }
0x8d: {  	s25 =	sadd.s32 $0x80, s25;
	v4 =	vld.idx.msk [tilespmem:v7+s3+$0x0], $0xffff;
	[tilespmem:s23+$0xFFFFFFD0] =	vst v8  }
0x8e: {  	[tilespmem:s23+$0xFFFFFFE0] =	vst v5  }
0x8f: {  	[tilespmem:s23+$0xFFFFFFF0] =	vst v3  }
0x90: {  	[tilespmem:s23+$0x0] =	vst v0  }
0x91: {  	[tilespmem:s23+$0x10] =	vst v1  }
0x92: {  	[tilespmem:s23+$0x20] =	vst v2  }
0x93: {  	s24 =	simm.s32 $0x1C700;
	[tilespmem:s23+$0xFFFFFFC0] =	vst v4;
	s23 =	simm.s32 $0x0  }
.LBB2_4:
0x94: {  	p0 =	sne.s32 s23, $0xF80  }
.Ltmp1:
0x95: {  	_ = 	snop;
	(pc) =	sbr.rel @p0 .LBB2_4-.Ltmp1, $4  }
0x96: {  	_ = 	snop  }
0x97: {  	s25 =	sadd.s32 s23, s7  }
0x98: {  	[hbm4b:s25+s3] =	stream.linear.scatter [tilespmem:s24], [sflag:$0x1], $0x80, $0x38;
	[tilespmem:$0x1EB00] =	vst v63  }
0x99: {  	s23 =	sadd.s32 $0x80, s23;
	s24 =	sadd.s32 $0x100, s24  }
0x9a: {  	s23 =	simm.s32 $0x19770  }
0x9b: {  	v0 =	vld [tilespmem:s23+$0x0]  }
0x9c: {  	v1 =	vld [tilespmem:s23+$0xFFFFFFA0]  }
0x9d: {  	v2 =	vld [tilespmem:s23+$0xFFFFFFB0]  }
0x9e: {  	v3 =	vld [tilespmem:s23+$0xFFFFFFC0]  }
0x9f: {  	v4 =	vld [tilespmem:s23+$0xFFFFFFD0]  }
0xa0: {  	v6 =	vld [tilespmem:s23+$0xFFFFFFE0]  }
0xa1: {  	v7 =	vld [tilespmem:s23+$0xFFFFFFF0]  }
0xa2: {  	v8 =	vld [tilespmem:s23+$0xFFFFFF90]  }
0xa3: {  	v9 =	vld.idx.msk [tilespmem:v0+s3+$0x0], $0xffff  }
0xa4: {  	v10 =	vld.idx.msk [tilespmem:v1+s3+$0x0], $0xffff  }
0xa5: {  	v5 =	vld.idx.msk [tilespmem:v2+s3+$0x0], $0xffff  }
0xa6: {  	v3 =	vld.idx.msk [tilespmem:v3+s3+$0x0], $0xffff  }
0xa7: {  	v0 =	vld.idx.msk [tilespmem:v4+s3+$0x0], $0xffff  }
0xa8: {  	s23 =	simm.s32 $0x1C7F0;
	v1 =	vld.idx.msk [tilespmem:v6+s3+$0x0], $0xffff  }
0xa9: {  	v2 =	vld.idx.msk [tilespmem:v7+s3+$0x0], $0xffff;
	[tilespmem:s23+$0x0] =	vst v9  }
0xaa: {  	s24 =	simm.s32 $0x0;
	s25 =	simm.s32 $0x197F0;
	v4 =	vld.idx.msk [tilespmem:v8+s3+$0x0], $0xffff;
	[tilespmem:s23+$0xFFFFFFA0] =	vst v10  }
.LBB2_6:
0xab: {  	v6 =	vld [tilespmem:s25+$0x0];
	s24 =	sadd.s32 $0x80, s24;
	[tilespmem:s23+$0xFFFFFFB0] =	vst v5  }
0xac: {  	v5 =	vld [tilespmem:s25+$0xFFFFFFA0];
	p0 =	slt.u32 s24, $0xF80;
	[tilespmem:s23+$0xFFFFFFC0] =	vst v3  }
0xad: {  	v3 =	vld [tilespmem:s25+$0xFFFFFFB0];
	[tilespmem:s23+$0xFFFFFFD0] =	vst v0  }
0xae: {  	v0 =	vld [tilespmem:s25+$0xFFFFFFC0];
	[tilespmem:s23+$0xFFFFFFE0] =	vst v1  }
0xaf: {  	v1 =	vld [tilespmem:s25+$0xFFFFFFD0];
	[tilespmem:s23+$0xFFFFFFF0] =	vst v2  }
0xb0: {  	v2 =	vld [tilespmem:s25+$0xFFFFFFE0];
	[tilespmem:s23+$0xFFFFFF90] =	vst v4  }
0xb1: {  	v4 =	vld [tilespmem:s25+$0xFFFFFFF0]  }
0xb2: {  	v7 =	vld [tilespmem:s25+$0xFFFFFF90]  }
0xb3: {  	v6 =	vld.idx.msk [tilespmem:v6+s3+$0x0], $0xffff  }
0xb4: {  	v8 =	vld.idx.msk [tilespmem:v5+s3+$0x0], $0xffff  }
0xb5: {  	v5 =	vld.idx.msk [tilespmem:v3+s3+$0x0], $0xffff  }
.Ltmp2:
0xb6: {  	v3 =	vld.idx.msk [tilespmem:v0+s3+$0x0], $0xffff;
	(pc) =	sbr.rel @p0 .LBB2_6-.Ltmp2, $4  }
0xb7: {  	v0 =	vld.idx.msk [tilespmem:v1+s3+$0x0], $0xffff  }
0xb8: {  	s23 =	sadd.s32 $0x100, s23;
	v1 =	vld.idx.msk [tilespmem:v2+s3+$0x0], $0xffff  }
0xb9: {  	v2 =	vld.idx.msk [tilespmem:v4+s3+$0x0], $0xffff;
	[tilespmem:s23+$0x0] =	vst v6  }
0xba: {  	s25 =	sadd.s32 $0x80, s25;
	v4 =	vld.idx.msk [tilespmem:v7+s3+$0x0], $0xffff;
	[tilespmem:s23+$0xFFFFFFA0] =	vst v8  }
0xbb: {  	[tilespmem:s23+$0xFFFFFFB0] =	vst v5  }
0xbc: {  	[tilespmem:s23+$0xFFFFFFC0] =	vst v3  }
0xbd: {  	[tilespmem:s23+$0xFFFFFFD0] =	vst v0  }
0xbe: {  	[tilespmem:s23+$0xFFFFFFE0] =	vst v1  }
0xbf: {  	s24 =	simm.s32 $0x1C780;
	[tilespmem:s23+$0xFFFFFFF0] =	vst v2  }
0xc0: {  	s30 =	sadd.s32 $0x0, s8;
	s25 =	simm.s32 $0x1C880;
	[tilespmem:s23+$0xFFFFFF90] =	vst v4;
	s23 =	simm.s32 $0x80  }
.LBB2_8:
0xc1: {  	[hbm4b:s30+s3] =	stream.linear.scatter [tilespmem:s24], [sflag:$0x2], $0x80, $0x38;
	[tilespmem:$0x1EB00] =	vst v63  }
0xc2: {  	s30 =	smov.u32 s23;
	s24 =	smov.u32 s25;
	p0 =	sne.s32 s23, $0xF80  }
.Ltmp3:
0xc3: {  	s23 =	sadd.s32 $0x80, s23;
	(pc) =	sbr.rel @p0 .LBB2_8-.Ltmp3, $2  }
0xc4: {  	_ =	sdelay $0x2  }
0xc5: {  	s25 =	sadd.s32 $0x100, s25;
	s30 =	sadd.s32 s30, s8  }
0xc6: {  	[hbm4b:s30+s3] =	stream.linear.scatter [tilespmem:s24], [sflag:$0x2], $0x80, $0x38;
	[tilespmem:$0x1EB00] =	vst v63  }
0xc7: {  	_ =	swait.ge [sflag:s1], $0x1000  }
0xc8: {  	[sflag:s1] =	ssyncset.done $0x0  }
0xc9: {  	s23 =	simm.s32 $0x1A770;
	[sflag:s1] =	ssyncadd.s32 $0xFFFFF000  }
0xca: {  	v0 =	vld [tilespmem:s23+$0x0]  }
0xcb: {  	v1 =	vld [tilespmem:s23+$0xFFFFFFA0]  }
0xcc: {  	v2 =	vld [tilespmem:s23+$0xFFFFFFB0]  }
0xcd: {  	v3 =	vld [tilespmem:s23+$0xFFFFFFC0]  }
0xce: {  	v4 =	vld [tilespmem:s23+$0xFFFFFFD0]  }
0xcf: {  	v6 =	vld [tilespmem:s23+$0xFFFFFFE0]  }
0xd0: {  	v7 =	vld [tilespmem:s23+$0xFFFFFFF0]  }
0xd1: {  	v8 =	vld [tilespmem:s23+$0xFFFFFF90]  }
0xd2: {  	v9 =	vld.idx.msk [tilespmem:v0+s3+$0x0], $0xffff  }
0xd3: {  	v10 =	vld.idx.msk [tilespmem:v1+s3+$0x0], $0xffff  }
0xd4: {  	v5 =	vld.idx.msk [tilespmem:v2+s3+$0x0], $0xffff  }
0xd5: {  	v3 =	vld.idx.msk [tilespmem:v3+s3+$0x0], $0xffff  }
0xd6: {  	v0 =	vld.idx.msk [tilespmem:v4+s3+$0x0], $0xffff  }
0xd7: {  	s23 =	simm.s32 $0x1C740;
	v1 =	vld.idx.msk [tilespmem:v6+s3+$0x0], $0xffff  }
0xd8: {  	v2 =	vld.idx.msk [tilespmem:v7+s3+$0x0], $0xffff;
	[tilespmem:s23+$0x30] =	vst v9  }
0xd9: {  	s24 =	simm.s32 $0x0;
	s25 =	simm.s32 $0x1A7F0;
	v4 =	vld.idx.msk [tilespmem:v8+s3+$0x0], $0xffff;
	[tilespmem:s23+$0xFFFFFFD0] =	vst v10  }
.LBB2_10:
0xda: {  	v6 =	vld [tilespmem:s25+$0x0];
	s24 =	sadd.s32 $0x80, s24;
	[tilespmem:s23+$0xFFFFFFE0] =	vst v5  }
0xdb: {  	v5 =	vld [tilespmem:s25+$0xFFFFFFA0];
	p0 =	slt.u32 s24, $0xF80;
	[tilespmem:s23+$0xFFFFFFF0] =	vst v3  }
0xdc: {  	v3 =	vld [tilespmem:s25+$0xFFFFFFB0];
	[tilespmem:s23+$0x0] =	vst v0  }
0xdd: {  	v0 =	vld [tilespmem:s25+$0xFFFFFFC0];
	[tilespmem:s23+$0x10] =	vst v1  }
0xde: {  	v1 =	vld [tilespmem:s25+$0xFFFFFFD0];
	[tilespmem:s23+$0x20] =	vst v2  }
0xdf: {  	v2 =	vld [tilespmem:s25+$0xFFFFFFE0];
	[tilespmem:s23+$0xFFFFFFC0] =	vst v4  }
0xe0: {  	v4 =	vld [tilespmem:s25+$0xFFFFFFF0]  }
0xe1: {  	v7 =	vld [tilespmem:s25+$0xFFFFFF90]  }
0xe2: {  	v6 =	vld.idx.msk [tilespmem:v6+s3+$0x0], $0xffff  }
0xe3: {  	v8 =	vld.idx.msk [tilespmem:v5+s3+$0x0], $0xffff  }
0xe4: {  	v5 =	vld.idx.msk [tilespmem:v3+s3+$0x0], $0xffff  }
.Ltmp4:
0xe5: {  	v3 =	vld.idx.msk [tilespmem:v0+s3+$0x0], $0xffff;
	(pc) =	sbr.rel @p0 .LBB2_10-.Ltmp4, $4  }
0xe6: {  	v0 =	vld.idx.msk [tilespmem:v1+s3+$0x0], $0xffff  }
0xe7: {  	s23 =	sadd.s32 $0x100, s23;
	v1 =	vld.idx.msk [tilespmem:v2+s3+$0x0], $0xffff  }
0xe8: {  	v2 =	vld.idx.msk [tilespmem:v4+s3+$0x0], $0xffff;
	[tilespmem:s23+$0x30] =	vst v6  }
0xe9: {  	s25 =	sadd.s32 $0x80, s25;
	v4 =	vld.idx.msk [tilespmem:v7+s3+$0x0], $0xffff;
	[tilespmem:s23+$0xFFFFFFD0] =	vst v8  }
0xea: {  	[tilespmem:s23+$0xFFFFFFE0] =	vst v5  }
0xeb: {  	[tilespmem:s23+$0xFFFFFFF0] =	vst v3  }
0xec: {  	[tilespmem:s23+$0x0] =	vst v0  }
0xed: {  	[tilespmem:s23+$0x10] =	vst v1  }
0xee: {  	s24 =	simm.s32 $0x1C700;
	[tilespmem:s23+$0x20] =	vst v2  }
0xef: {  	s30 =	sadd.s32 $0x0, s9;
	s25 =	simm.s32 $0x1C800;
	[tilespmem:s23+$0xFFFFFFC0] =	vst v4;
	s23 =	simm.s32 $0x80  }
.LBB2_12:
0xf0: {  	[hbm4b:s30+s3] =	stream.linear.scatter [tilespmem:s24], [sflag:$0x1], $0x80, $0x38;
	[tilespmem:$0x1EB00] =	vst v63  }
0xf1: {  	s30 =	smov.u32 s23;
	s24 =	smov.u32 s25;
	p0 =	sne.s32 s23, $0xF80  }
.Ltmp5:
0xf2: {  	s23 =	sadd.s32 $0x80, s23;
	(pc) =	sbr.rel @p0 .LBB2_12-.Ltmp5, $2  }
0xf3: {  	_ =	sdelay $0x2  }
0xf4: {  	s25 =	sadd.s32 $0x100, s25;
	s30 =	sadd.s32 s30, s9  }
0xf5: {  	[hbm4b:s30+s3] =	stream.linear.scatter [tilespmem:s24], [sflag:$0x1], $0x80, $0x38;
	[tilespmem:$0x1EB00] =	vst v63  }
0xf6: {  	_ =	swait.ge [sflag:s26], $0x1000  }
0xf7: {  	[sflag:s26] =	ssyncset.done $0x0  }
0xf8: {  	s23 =	simm.s32 $0x1B770;
	[sflag:s26] =	ssyncadd.s32 $0xFFFFF000  }
0xf9: {  	v0 =	vld [tilespmem:s23+$0x0]  }
0xfa: {  	v1 =	vld [tilespmem:s23+$0xFFFFFFA0]  }
0xfb: {  	v2 =	vld [tilespmem:s23+$0xFFFFFFB0]  }
0xfc: {  	v3 =	vld [tilespmem:s23+$0xFFFFFFC0]  }
0xfd: {  	v4 =	vld [tilespmem:s23+$0xFFFFFFD0]  }
0xfe: {  	v6 =	vld [tilespmem:s23+$0xFFFFFFE0]  }
0xff: {  	v7 =	vld [tilespmem:s23+$0xFFFFFFF0]  }
0x100: {  	v8 =	vld [tilespmem:s23+$0xFFFFFF90]  }
0x101: {  	v9 =	vld.idx.msk [tilespmem:v0+s3+$0x0], $0xffff  }
0x102: {  	v10 =	vld.idx.msk [tilespmem:v1+s3+$0x0], $0xffff  }
0x103: {  	v5 =	vld.idx.msk [tilespmem:v2+s3+$0x0], $0xffff  }
0x104: {  	v3 =	vld.idx.msk [tilespmem:v3+s3+$0x0], $0xffff  }
0x105: {  	v0 =	vld.idx.msk [tilespmem:v4+s3+$0x0], $0xffff  }
0x106: {  	s23 =	simm.s32 $0x1C7F0;
	v1 =	vld.idx.msk [tilespmem:v6+s3+$0x0], $0xffff  }
0x107: {  	v2 =	vld.idx.msk [tilespmem:v7+s3+$0x0], $0xffff;
	[tilespmem:s23+$0x0] =	vst v9  }
0x108: {  	s24 =	simm.s32 $0x0;
	s25 =	simm.s32 $0x1B7F0;
	v4 =	vld.idx.msk [tilespmem:v8+s3+$0x0], $0xffff;
	[tilespmem:s23+$0xFFFFFFA0] =	vst v10  }
.LBB2_14:
0x109: {  	v6 =	vld [tilespmem:s25+$0x0];
	s24 =	sadd.s32 $0x80, s24;
	[tilespmem:s23+$0xFFFFFFB0] =	vst v5  }
0x10a: {  	v5 =	vld [tilespmem:s25+$0xFFFFFFA0];
	p0 =	slt.u32 s24, $0xF80;
	[tilespmem:s23+$0xFFFFFFC0] =	vst v3  }
0x10b: {  	v3 =	vld [tilespmem:s25+$0xFFFFFFB0];
	[tilespmem:s23+$0xFFFFFFD0] =	vst v0  }
0x10c: {  	v0 =	vld [tilespmem:s25+$0xFFFFFFC0];
	[tilespmem:s23+$0xFFFFFFE0] =	vst v1  }
0x10d: {  	v1 =	vld [tilespmem:s25+$0xFFFFFFD0];
	[tilespmem:s23+$0xFFFFFFF0] =	vst v2  }
0x10e: {  	v2 =	vld [tilespmem:s25+$0xFFFFFFE0];
	[tilespmem:s23+$0xFFFFFF90] =	vst v4  }
0x10f: {  	v4 =	vld [tilespmem:s25+$0xFFFFFFF0]  }
0x110: {  	v7 =	vld [tilespmem:s25+$0xFFFFFF90]  }
0x111: {  	v6 =	vld.idx.msk [tilespmem:v6+s3+$0x0], $0xffff  }
0x112: {  	v8 =	vld.idx.msk [tilespmem:v5+s3+$0x0], $0xffff  }
0x113: {  	v5 =	vld.idx.msk [tilespmem:v3+s3+$0x0], $0xffff  }
.Ltmp6:
0x114: {  	v3 =	vld.idx.msk [tilespmem:v0+s3+$0x0], $0xffff;
	(pc) =	sbr.rel @p0 .LBB2_14-.Ltmp6, $4  }
0x115: {  	v0 =	vld.idx.msk [tilespmem:v1+s3+$0x0], $0xffff  }
0x116: {  	s23 =	sadd.s32 $0x100, s23;
	v1 =	vld.idx.msk [tilespmem:v2+s3+$0x0], $0xffff  }
0x117: {  	v2 =	vld.idx.msk [tilespmem:v4+s3+$0x0], $0xffff;
	[tilespmem:s23+$0x0] =	vst v6  }
0x118: {  	s25 =	sadd.s32 $0x80, s25;
	v4 =	vld.idx.msk [tilespmem:v7+s3+$0x0], $0xffff;
	[tilespmem:s23+$0xFFFFFFA0] =	vst v8  }
0x119: {  	[tilespmem:s23+$0xFFFFFFB0] =	vst v5  }
0x11a: {  	[tilespmem:s23+$0xFFFFFFC0] =	vst v3  }
0x11b: {  	[tilespmem:s23+$0xFFFFFFD0] =	vst v0  }
0x11c: {  	[tilespmem:s23+$0xFFFFFFE0] =	vst v1  }
0x11d: {  	s24 =	simm.s32 $0x1C780;
	[tilespmem:s23+$0xFFFFFFF0] =	vst v2  }
0x11e: {  	s30 =	sadd.s32 $0x0, s10;
	s25 =	simm.s32 $0x1C880;
	[tilespmem:s23+$0xFFFFFF90] =	vst v4;
	s23 =	simm.s32 $0x80  }
.LBB2_16:
0x11f: {  	[hbm4b:s30+s3] =	stream.linear.scatter [tilespmem:s24], [sflag:$0x2], $0x80, $0x38;
	[tilespmem:$0x1EB00] =	vst v63  }
0x120: {  	s30 =	smov.u32 s23;
	s24 =	smov.u32 s25;
	p0 =	sne.s32 s23, $0xF80  }
.Ltmp7:
0x121: {  	s23 =	sadd.s32 $0x80, s23;
	(pc) =	sbr.rel @p0 .LBB2_16-.Ltmp7, $2  }
0x122: {  	_ =	sdelay $0x2  }
0x123: {  	s25 =	sadd.s32 $0x100, s25;
	s30 =	sadd.s32 s30, s10  }
0x124: {  	[hbm4b:s30+s3] =	stream.linear.scatter [tilespmem:s24], [sflag:$0x2], $0x80, $0x38;
	[tilespmem:$0x1EB00] =	vst v63  }
0x125: {  	s23 =	rddreg [dreg:$0x6]  }
0x126: {  	[tilespmem:s3], [sflag:$0x4] =	stream.strided.gather [hbm4b:s23+s21], $0x18700, s22, s21, $0x38;
	[tilespmem:$0x1EB00] =	vst v63  }
0x127: {  	_ =	swait.ge [sflag:s5], $0x80  }
0x128: {  	[sflag:s5] =	ssyncset.done $0x0  }
0x129: {  	[sflag:s5] =	ssyncadd.s32 $0xFFFFFF80  }
0x12a: {  	_ =	swait.ge [sflag:s5], $0x80  }
0x12b: {  	[sflag:s5] =	ssyncset.done $0x0  }
0x12c: {  	[sflag:s5] =	ssyncadd.s32 $0xFFFFFF80  }
0x12d: {  	_ =	swait.ge [sflag:s5], $0x80  }
0x12e: {  	[sflag:s5] =	ssyncset.done $0x0  }
0x12f: {  	[sflag:s5] =	ssyncadd.s32 $0xFFFFFF80  }
0x130: {  	_ =	swait.ge [sflag:s5], $0x80  }
0x131: {  	[sflag:s5] =	ssyncset.done $0x0  }
0x132: {  	s30 =	simm.s32 $0x1E900;
	s2 =	rddreg [dreg:$0xb];
	[sflag:s5] =	ssyncadd.s32 $0xFFFFFF80  }
0x133: {  	[hbm4b:s2+s22] =	stream.strided.scatter [tilespmem:s30], [sflag:$0x5], $0x0, s11, s22, $0x38;
	[tilespmem:$0x1EB00] =	vst v63  }
0x134: {  	_ = 	snop  }
0x135: {  	[hbm4b:s2+s3] =	stream.linear.scatter [tilespmem:s30], [sflag:$0x5], $0x80, $0x38;
	[tilespmem:$0x1EB00] =	vst v63  }
0x136: {  	_ =	swait.ge [sflag:s28], $0x80  }
0x137: {  	[sflag:s28] =	ssyncset.done $0x0  }
0x138: {  	s12 =	simm.s32 $0x1E980;
	[sflag:s28] =	ssyncadd.s32 $0xFFFFFF80  }
0x139: {  	[hbm4b:s13+s22] =	stream.strided.scatter [tilespmem:s12], [sflag:$0x5], $0x0, s11, s22, $0x38;
	[tilespmem:$0x1EB00] =	vst v63  }
0x13a: {  	_ = 	snop  }
0x13b: {  	[hbm4b:s13+s3] =	stream.linear.scatter [tilespmem:s12], [sflag:$0x5], $0x80, $0x38;
	[tilespmem:$0x1EB00] =	vst v63  }
0x13c: {  	_ =	swait.ge [sflag:s28], $0x80  }
0x13d: {  	[sflag:s28] =	ssyncset.done $0x0  }
0x13e: {  	s24 =	simm.s32 $0x1EA00;
	[sflag:s28] =	ssyncadd.s32 $0xFFFFFF80  }
0x13f: {  	[hbm4b:s14+s22] =	stream.strided.scatter [tilespmem:s24], [sflag:$0x5], $0x0, s11, s22, $0x38;
	[tilespmem:$0x1EB00] =	vst v63  }
0x140: {  	_ = 	snop  }
0x141: {  	[hbm4b:s14+s3] =	stream.linear.scatter [tilespmem:s24], [sflag:$0x5], $0x80, $0x38;
	[tilespmem:$0x1EB00] =	vst v63  }
0x142: {  	_ =	swait.ge [sflag:s28], $0x80  }
0x143: {  	[sflag:s28] =	ssyncset.done $0x0  }
0x144: {  	s25 =	simm.s32 $0x1EA80;
	[sflag:s28] =	ssyncadd.s32 $0xFFFFFF80  }
0x145: {  	[hbm4b:s15+s22] =	stream.strided.scatter [tilespmem:s25], [sflag:$0x5], $0x0, s11, s22, $0x38;
	[tilespmem:$0x1EB00] =	vst v63  }
0x146: {  	_ = 	snop  }
0x147: {  	[hbm4b:s15+s3] =	stream.linear.scatter [tilespmem:s25], [sflag:$0x5], $0x80, $0x38;
	[tilespmem:$0x1EB00] =	vst v63  }
0x148: {  	_ =	swait.ge [sflag:s28], $0x80  }
0x149: {  	[sflag:s28] =	ssyncset.done $0x0  }
0x14a: {  	[sflag:s28] =	ssyncadd.s32 $0xFFFFFF80  }
0x14b: {  	_ =	swait.ge [sflag:s31], $0x18700  }
0x14c: {  	[sflag:s31] =	ssyncset.done $0x0  }
0x14d: {  	[sflag:s31] =	ssyncadd.s32 $0xFFFE7900  }
0x14e: {  	_ =	swait.ge [sflag:s1], $0x1000  }
0x14f: {  	[sflag:s1] =	ssyncset.done $0x0  }
0x150: {  	s30 =	simm.s32 $0x18740;
	[sflag:s1] =	ssyncadd.s32 $0xFFFFF000  }
0x151: {  	v0 =	vld [tilespmem:s30+$0x30]  }
0x152: {  	v1 =	vld [tilespmem:s30+$0xFFFFFFD0]  }
0x153: {  	v2 =	vld [tilespmem:s30+$0xFFFFFFE0]  }
0x154: {  	v3 =	vld [tilespmem:s30+$0xFFFFFFF0]  }
0x155: {  	v4 =	vld [tilespmem:s30+$0x0]  }
0x156: {  	v6 =	vld [tilespmem:s30+$0x10]  }
0x157: {  	v7 =	vld [tilespmem:s30+$0x20]  }
0x158: {  	v8 =	vld [tilespmem:s30+$0xFFFFFFC0]  }
0x159: {  	v9 =	vld.idx.msk [tilespmem:v0+s3+$0x0], $0xffff  }
0x15a: {  	v10 =	vld.idx.msk [tilespmem:v1+s3+$0x0], $0xffff  }
0x15b: {  	v5 =	vld.idx.msk [tilespmem:v2+s3+$0x0], $0xffff  }
0x15c: {  	v3 =	vld.idx.msk [tilespmem:v3+s3+$0x0], $0xffff  }
0x15d: {  	v0 =	vld.idx.msk [tilespmem:v4+s3+$0x0], $0xffff  }
0x15e: {  	s23 =	simm.s32 $0x1C740;
	v1 =	vld.idx.msk [tilespmem:v6+s3+$0x0], $0xffff  }
0x15f: {  	s0 =	simm.s32 $0x1E900;
	s29 =	simm.s32 $0x1EA00;
	s2 =	simm.s32 $0x1E980;
	v2 =	vld.idx.msk [tilespmem:v7+s3+$0x0], $0xffff;
	[tilespmem:s23+$0x30] =	vst v9  }
0x160: {  	s12 =	simm.s32 $0x1EA80;
	s24 =	simm.s32 $0x0;
	s25 =	simm.s32 $0x187C0;
	v4 =	vld.idx.msk [tilespmem:v8+s3+$0x0], $0xffff;
	[tilespmem:s23+$0xFFFFFFD0] =	vst v10  }
.LBB2_18:
0x161: {  	v6 =	vld [tilespmem:s25+$0x30];
	s24 =	sadd.s32 $0x80, s24;
	[tilespmem:s23+$0xFFFFFFE0] =	vst v5  }
0x162: {  	v5 =	vld [tilespmem:s25+$0xFFFFFFD0];
	p0 =	slt.u32 s24, $0xF80;
	[tilespmem:s23+$0xFFFFFFF0] =	vst v3  }
0x163: {  	v3 =	vld [tilespmem:s25+$0xFFFFFFE0];
	[tilespmem:s23+$0x0] =	vst v0  }
0x164: {  	v0 =	vld [tilespmem:s25+$0xFFFFFFF0];
	[tilespmem:s23+$0x10] =	vst v1  }
0x165: {  	v1 =	vld [tilespmem:s25+$0x0];
	[tilespmem:s23+$0x20] =	vst v2  }
0x166: {  	v2 =	vld [tilespmem:s25+$0x10];
	[tilespmem:s23+$0xFFFFFFC0] =	vst v4  }
0x167: {  	v4 =	vld [tilespmem:s25+$0x20]  }
0x168: {  	v7 =	vld [tilespmem:s25+$0xFFFFFFC0]  }
0x169: {  	v6 =	vld.idx.msk [tilespmem:v6+s3+$0x0], $0xffff  }
0x16a: {  	v8 =	vld.idx.msk [tilespmem:v5+s3+$0x0], $0xffff  }
0x16b: {  	v5 =	vld.idx.msk [tilespmem:v3+s3+$0x0], $0xffff  }
.Ltmp8:
0x16c: {  	v3 =	vld.idx.msk [tilespmem:v0+s3+$0x0], $0xffff;
	(pc) =	sbr.rel @p0 .LBB2_18-.Ltmp8, $4  }
0x16d: {  	v0 =	vld.idx.msk [tilespmem:v1+s3+$0x0], $0xffff  }
0x16e: {  	s23 =	sadd.s32 $0x100, s23;
	v1 =	vld.idx.msk [tilespmem:v2+s3+$0x0], $0xffff  }
0x16f: {  	v2 =	vld.idx.msk [tilespmem:v4+s3+$0x0], $0xffff;
	[tilespmem:s23+$0x30] =	vst v6  }
0x170: {  	s25 =	sadd.s32 $0x80, s25;
	v4 =	vld.idx.msk [tilespmem:v7+s3+$0x0], $0xffff;
	[tilespmem:s23+$0xFFFFFFD0] =	vst v8  }
0x171: {  	[tilespmem:s23+$0xFFFFFFE0] =	vst v5  }
0x172: {  	[tilespmem:s23+$0xFFFFFFF0] =	vst v3  }
0x173: {  	[tilespmem:s23+$0x0] =	vst v0  }
0x174: {  	[tilespmem:s23+$0x10] =	vst v1  }
0x175: {  	s24 =	simm.s32 $0x1C700;
	[tilespmem:s23+$0x20] =	vst v2  }
0x176: {  	s30 =	sadd.s32 $0x0, s16;
	s25 =	simm.s32 $0x1C800;
	[tilespmem:s23+$0xFFFFFFC0] =	vst v4;
	s23 =	simm.s32 $0x80  }
.LBB2_20:
0x177: {  	[hbm4b:s30+s3] =	stream.linear.scatter [tilespmem:s24], [sflag:$0x1], $0x80, $0x38;
	[tilespmem:$0x1EB00] =	vst v63  }
0x178: {  	s30 =	smov.u32 s23;
	s24 =	smov.u32 s25;
	p0 =	sne.s32 s23, $0xF80  }
.Ltmp9:
0x179: {  	s23 =	sadd.s32 $0x80, s23;
	(pc) =	sbr.rel @p0 .LBB2_20-.Ltmp9, $2  }
0x17a: {  	_ =	sdelay $0x2  }
0x17b: {  	s25 =	sadd.s32 $0x100, s25;
	s30 =	sadd.s32 s30, s16  }
0x17c: {  	[hbm4b:s30+s3] =	stream.linear.scatter [tilespmem:s24], [sflag:$0x1], $0x80, $0x38;
	[tilespmem:$0x1EB00] =	vst v63  }
0x17d: {  	_ =	swait.ge [sflag:s26], $0x1000  }
0x17e: {  	[sflag:s26] =	ssyncset.done $0x0  }
0x17f: {  	s23 =	simm.s32 $0x19770;
	[sflag:s26] =	ssyncadd.s32 $0xFFFFF000  }
0x180: {  	v0 =	vld [tilespmem:s23+$0x0]  }
0x181: {  	v1 =	vld [tilespmem:s23+$0xFFFFFFA0]  }
0x182: {  	v2 =	vld [tilespmem:s23+$0xFFFFFFB0]  }
0x183: {  	v3 =	vld [tilespmem:s23+$0xFFFFFFC0]  }
0x184: {  	v4 =	vld [tilespmem:s23+$0xFFFFFFD0]  }
0x185: {  	v6 =	vld [tilespmem:s23+$0xFFFFFFE0]  }
0x186: {  	v7 =	vld [tilespmem:s23+$0xFFFFFFF0]  }
0x187: {  	v8 =	vld [tilespmem:s23+$0xFFFFFF90]  }
0x188: {  	v9 =	vld.idx.msk [tilespmem:v0+s3+$0x0], $0xffff  }
0x189: {  	v10 =	vld.idx.msk [tilespmem:v1+s3+$0x0], $0xffff  }
0x18a: {  	v5 =	vld.idx.msk [tilespmem:v2+s3+$0x0], $0xffff  }
0x18b: {  	v3 =	vld.idx.msk [tilespmem:v3+s3+$0x0], $0xffff  }
0x18c: {  	v0 =	vld.idx.msk [tilespmem:v4+s3+$0x0], $0xffff  }
0x18d: {  	s23 =	simm.s32 $0x1C7F0;
	v1 =	vld.idx.msk [tilespmem:v6+s3+$0x0], $0xffff  }
0x18e: {  	v2 =	vld.idx.msk [tilespmem:v7+s3+$0x0], $0xffff;
	[tilespmem:s23+$0x0] =	vst v9  }
0x18f: {  	s24 =	simm.s32 $0x0;
	s25 =	simm.s32 $0x197F0;
	v4 =	vld.idx.msk [tilespmem:v8+s3+$0x0], $0xffff;
	[tilespmem:s23+$0xFFFFFFA0] =	vst v10  }
.LBB2_22:
0x190: {  	v6 =	vld [tilespmem:s25+$0x0];
	s24 =	sadd.s32 $0x80, s24;
	[tilespmem:s23+$0xFFFFFFB0] =	vst v5  }
0x191: {  	v5 =	vld [tilespmem:s25+$0xFFFFFFA0];
	p0 =	slt.u32 s24, $0xF80;
	[tilespmem:s23+$0xFFFFFFC0] =	vst v3  }
0x192: {  	v3 =	vld [tilespmem:s25+$0xFFFFFFB0];
	[tilespmem:s23+$0xFFFFFFD0] =	vst v0  }
0x193: {  	v0 =	vld [tilespmem:s25+$0xFFFFFFC0];
	[tilespmem:s23+$0xFFFFFFE0] =	vst v1  }
0x194: {  	v1 =	vld [tilespmem:s25+$0xFFFFFFD0];
	[tilespmem:s23+$0xFFFFFFF0] =	vst v2  }
0x195: {  	v2 =	vld [tilespmem:s25+$0xFFFFFFE0];
	[tilespmem:s23+$0xFFFFFF90] =	vst v4  }
0x196: {  	v4 =	vld [tilespmem:s25+$0xFFFFFFF0]  }
0x197: {  	v7 =	vld [tilespmem:s25+$0xFFFFFF90]  }
0x198: {  	v6 =	vld.idx.msk [tilespmem:v6+s3+$0x0], $0xffff  }
0x199: {  	v8 =	vld.idx.msk [tilespmem:v5+s3+$0x0], $0xffff  }
0x19a: {  	v5 =	vld.idx.msk [tilespmem:v3+s3+$0x0], $0xffff  }
.Ltmp10:
0x19b: {  	v3 =	vld.idx.msk [tilespmem:v0+s3+$0x0], $0xffff;
	(pc) =	sbr.rel @p0 .LBB2_22-.Ltmp10, $4  }
0x19c: {  	v0 =	vld.idx.msk [tilespmem:v1+s3+$0x0], $0xffff  }
0x19d: {  	s23 =	sadd.s32 $0x100, s23;
	v1 =	vld.idx.msk [tilespmem:v2+s3+$0x0], $0xffff  }
0x19e: {  	v2 =	vld.idx.msk [tilespmem:v4+s3+$0x0], $0xffff;
	[tilespmem:s23+$0x0] =	vst v6  }
0x19f: {  	s25 =	sadd.s32 $0x80, s25;
	v4 =	vld.idx.msk [tilespmem:v7+s3+$0x0], $0xffff;
	[tilespmem:s23+$0xFFFFFFA0] =	vst v8  }
0x1a0: {  	[tilespmem:s23+$0xFFFFFFB0] =	vst v5  }
0x1a1: {  	[tilespmem:s23+$0xFFFFFFC0] =	vst v3  }
0x1a2: {  	[tilespmem:s23+$0xFFFFFFD0] =	vst v0  }
0x1a3: {  	[tilespmem:s23+$0xFFFFFFE0] =	vst v1  }
0x1a4: {  	s24 =	simm.s32 $0x1C780;
	[tilespmem:s23+$0xFFFFFFF0] =	vst v2  }
0x1a5: {  	s30 =	sadd.s32 $0x0, s17;
	s25 =	simm.s32 $0x1C880;
	[tilespmem:s23+$0xFFFFFF90] =	vst v4;
	s23 =	simm.s32 $0x80  }
.LBB2_24:
0x1a6: {  	[hbm4b:s30+s3] =	stream.linear.scatter [tilespmem:s24], [sflag:$0x2], $0x80, $0x38;
	[tilespmem:$0x1EB00] =	vst v63  }
0x1a7: {  	s30 =	smov.u32 s23;
	s24 =	smov.u32 s25;
	p0 =	sne.s32 s23, $0xF80  }
.Ltmp11:
0x1a8: {  	s23 =	sadd.s32 $0x80, s23;
	(pc) =	sbr.rel @p0 .LBB2_24-.Ltmp11, $2  }
0x1a9: {  	_ =	sdelay $0x2  }
0x1aa: {  	s25 =	sadd.s32 $0x100, s25;
	s30 =	sadd.s32 s30, s17  }
0x1ab: {  	[hbm4b:s30+s3] =	stream.linear.scatter [tilespmem:s24], [sflag:$0x2], $0x80, $0x38;
	[tilespmem:$0x1EB00] =	vst v63  }
0x1ac: {  	_ =	swait.ge [sflag:s1], $0x1000  }
0x1ad: {  	[sflag:s1] =	ssyncset.done $0x0  }
0x1ae: {  	s23 =	simm.s32 $0x1A770;
	[sflag:s1] =	ssyncadd.s32 $0xFFFFF000  }
0x1af: {  	v0 =	vld [tilespmem:s23+$0x0]  }
0x1b0: {  	v1 =	vld [tilespmem:s23+$0xFFFFFFA0]  }
0x1b1: {  	v2 =	vld [tilespmem:s23+$0xFFFFFFB0]  }
0x1b2: {  	v3 =	vld [tilespmem:s23+$0xFFFFFFC0]  }
0x1b3: {  	v4 =	vld [tilespmem:s23+$0xFFFFFFD0]  }
0x1b4: {  	v6 =	vld [tilespmem:s23+$0xFFFFFFE0]  }
0x1b5: {  	v7 =	vld [tilespmem:s23+$0xFFFFFFF0]  }
0x1b6: {  	v8 =	vld [tilespmem:s23+$0xFFFFFF90]  }
0x1b7: {  	v9 =	vld.idx.msk [tilespmem:v0+s3+$0x0], $0xffff  }
0x1b8: {  	v10 =	vld.idx.msk [tilespmem:v1+s3+$0x0], $0xffff  }
0x1b9: {  	v5 =	vld.idx.msk [tilespmem:v2+s3+$0x0], $0xffff  }
0x1ba: {  	v3 =	vld.idx.msk [tilespmem:v3+s3+$0x0], $0xffff  }
0x1bb: {  	v0 =	vld.idx.msk [tilespmem:v4+s3+$0x0], $0xffff  }
0x1bc: {  	s23 =	simm.s32 $0x1C740;
	v1 =	vld.idx.msk [tilespmem:v6+s3+$0x0], $0xffff  }
0x1bd: {  	v2 =	vld.idx.msk [tilespmem:v7+s3+$0x0], $0xffff;
	[tilespmem:s23+$0x30] =	vst v9  }
0x1be: {  	s24 =	simm.s32 $0x0;
	s25 =	simm.s32 $0x1A7F0;
	v4 =	vld.idx.msk [tilespmem:v8+s3+$0x0], $0xffff;
	[tilespmem:s23+$0xFFFFFFD0] =	vst v10  }
.LBB2_26:
0x1bf: {  	v6 =	vld [tilespmem:s25+$0x0];
	s24 =	sadd.s32 $0x80, s24;
	[tilespmem:s23+$0xFFFFFFE0] =	vst v5  }
0x1c0: {  	v5 =	vld [tilespmem:s25+$0xFFFFFFA0];
	p0 =	slt.u32 s24, $0xF80;
	[tilespmem:s23+$0xFFFFFFF0] =	vst v3  }
0x1c1: {  	v3 =	vld [tilespmem:s25+$0xFFFFFFB0];
	[tilespmem:s23+$0x0] =	vst v0  }
0x1c2: {  	v0 =	vld [tilespmem:s25+$0xFFFFFFC0];
	[tilespmem:s23+$0x10] =	vst v1  }
0x1c3: {  	v1 =	vld [tilespmem:s25+$0xFFFFFFD0];
	[tilespmem:s23+$0x20] =	vst v2  }
0x1c4: {  	v2 =	vld [tilespmem:s25+$0xFFFFFFE0];
	[tilespmem:s23+$0xFFFFFFC0] =	vst v4  }
0x1c5: {  	v4 =	vld [tilespmem:s25+$0xFFFFFFF0]  }
0x1c6: {  	v7 =	vld [tilespmem:s25+$0xFFFFFF90]  }
0x1c7: {  	v6 =	vld.idx.msk [tilespmem:v6+s3+$0x0], $0xffff  }
0x1c8: {  	v8 =	vld.idx.msk [tilespmem:v5+s3+$0x0], $0xffff  }
0x1c9: {  	v5 =	vld.idx.msk [tilespmem:v3+s3+$0x0], $0xffff  }
.Ltmp12:
0x1ca: {  	v3 =	vld.idx.msk [tilespmem:v0+s3+$0x0], $0xffff;
	(pc) =	sbr.rel @p0 .LBB2_26-.Ltmp12, $4  }
0x1cb: {  	v0 =	vld.idx.msk [tilespmem:v1+s3+$0x0], $0xffff  }
0x1cc: {  	s23 =	sadd.s32 $0x100, s23;
	v1 =	vld.idx.msk [tilespmem:v2+s3+$0x0], $0xffff  }
0x1cd: {  	v2 =	vld.idx.msk [tilespmem:v4+s3+$0x0], $0xffff;
	[tilespmem:s23+$0x30] =	vst v6  }
0x1ce: {  	s25 =	sadd.s32 $0x80, s25;
	v4 =	vld.idx.msk [tilespmem:v7+s3+$0x0], $0xffff;
	[tilespmem:s23+$0xFFFFFFD0] =	vst v8  }
0x1cf: {  	[tilespmem:s23+$0xFFFFFFE0] =	vst v5  }
0x1d0: {  	[tilespmem:s23+$0xFFFFFFF0] =	vst v3  }
0x1d1: {  	[tilespmem:s23+$0x0] =	vst v0  }
0x1d2: {  	[tilespmem:s23+$0x10] =	vst v1  }
0x1d3: {  	s24 =	simm.s32 $0x1C700;
	[tilespmem:s23+$0x20] =	vst v2  }
0x1d4: {  	s30 =	sadd.s32 $0x0, s18;
	s25 =	simm.s32 $0x1C800;
	[tilespmem:s23+$0xFFFFFFC0] =	vst v4;
	s23 =	simm.s32 $0x80  }
.LBB2_28:
0x1d5: {  	[hbm4b:s30+s3] =	stream.linear.scatter [tilespmem:s24], [sflag:$0x1], $0x80, $0x38;
	[tilespmem:$0x1EB00] =	vst v63  }
0x1d6: {  	s30 =	smov.u32 s23;
	s24 =	smov.u32 s25;
	p0 =	sne.s32 s23, $0xF80  }
.Ltmp13:
0x1d7: {  	s23 =	sadd.s32 $0x80, s23;
	(pc) =	sbr.rel @p0 .LBB2_28-.Ltmp13, $2  }
0x1d8: {  	_ =	sdelay $0x2  }
0x1d9: {  	s25 =	sadd.s32 $0x100, s25;
	s30 =	sadd.s32 s30, s18  }
0x1da: {  	[hbm4b:s30+s3] =	stream.linear.scatter [tilespmem:s24], [sflag:$0x1], $0x80, $0x38;
	[tilespmem:$0x1EB00] =	vst v63  }
0x1db: {  	_ =	swait.ge [sflag:s26], $0x1000  }
0x1dc: {  	[sflag:s26] =	ssyncset.done $0x0  }
0x1dd: {  	s23 =	simm.s32 $0x1B770;
	[sflag:s26] =	ssyncadd.s32 $0xFFFFF000  }
0x1de: {  	v0 =	vld [tilespmem:s23+$0x0]  }
0x1df: {  	v1 =	vld [tilespmem:s23+$0xFFFFFFA0]  }
0x1e0: {  	v2 =	vld [tilespmem:s23+$0xFFFFFFB0]  }
0x1e1: {  	v3 =	vld [tilespmem:s23+$0xFFFFFFC0]  }
0x1e2: {  	v4 =	vld [tilespmem:s23+$0xFFFFFFD0]  }
0x1e3: {  	v6 =	vld [tilespmem:s23+$0xFFFFFFE0]  }
0x1e4: {  	v7 =	vld [tilespmem:s23+$0xFFFFFFF0]  }
0x1e5: {  	v8 =	vld [tilespmem:s23+$0xFFFFFF90]  }
0x1e6: {  	v9 =	vld.idx.msk [tilespmem:v0+s3+$0x0], $0xffff  }
0x1e7: {  	v10 =	vld.idx.msk [tilespmem:v1+s3+$0x0], $0xffff  }
0x1e8: {  	v5 =	vld.idx.msk [tilespmem:v2+s3+$0x0], $0xffff  }
0x1e9: {  	v3 =	vld.idx.msk [tilespmem:v3+s3+$0x0], $0xffff  }
0x1ea: {  	v0 =	vld.idx.msk [tilespmem:v4+s3+$0x0], $0xffff  }
0x1eb: {  	s23 =	simm.s32 $0x1C7F0;
	v1 =	vld.idx.msk [tilespmem:v6+s3+$0x0], $0xffff  }
0x1ec: {  	v2 =	vld.idx.msk [tilespmem:v7+s3+$0x0], $0xffff;
	[tilespmem:s23+$0x0] =	vst v9  }
0x1ed: {  	s24 =	simm.s32 $0x0;
	s25 =	simm.s32 $0x1B7F0;
	v4 =	vld.idx.msk [tilespmem:v8+s3+$0x0], $0xffff;
	[tilespmem:s23+$0xFFFFFFA0] =	vst v10  }
.LBB2_30:
0x1ee: {  	v6 =	vld [tilespmem:s25+$0x0];
	s24 =	sadd.s32 $0x80, s24;
	[tilespmem:s23+$0xFFFFFFB0] =	vst v5  }
0x1ef: {  	v5 =	vld [tilespmem:s25+$0xFFFFFFA0];
	p0 =	slt.u32 s24, $0xF80;
	[tilespmem:s23+$0xFFFFFFC0] =	vst v3  }
0x1f0: {  	v3 =	vld [tilespmem:s25+$0xFFFFFFB0];
	[tilespmem:s23+$0xFFFFFFD0] =	vst v0  }
0x1f1: {  	v0 =	vld [tilespmem:s25+$0xFFFFFFC0];
	[tilespmem:s23+$0xFFFFFFE0] =	vst v1  }
0x1f2: {  	v1 =	vld [tilespmem:s25+$0xFFFFFFD0];
	[tilespmem:s23+$0xFFFFFFF0] =	vst v2  }
0x1f3: {  	v2 =	vld [tilespmem:s25+$0xFFFFFFE0];
	[tilespmem:s23+$0xFFFFFF90] =	vst v4  }
0x1f4: {  	v4 =	vld [tilespmem:s25+$0xFFFFFFF0]  }
0x1f5: {  	v7 =	vld [tilespmem:s25+$0xFFFFFF90]  }
0x1f6: {  	v6 =	vld.idx.msk [tilespmem:v6+s3+$0x0], $0xffff  }
0x1f7: {  	v8 =	vld.idx.msk [tilespmem:v5+s3+$0x0], $0xffff  }
0x1f8: {  	v5 =	vld.idx.msk [tilespmem:v3+s3+$0x0], $0xffff  }
.Ltmp14:
0x1f9: {  	v3 =	vld.idx.msk [tilespmem:v0+s3+$0x0], $0xffff;
	(pc) =	sbr.rel @p0 .LBB2_30-.Ltmp14, $4  }
0x1fa: {  	v0 =	vld.idx.msk [tilespmem:v1+s3+$0x0], $0xffff  }
0x1fb: {  	s23 =	sadd.s32 $0x100, s23;
	v1 =	vld.idx.msk [tilespmem:v2+s3+$0x0], $0xffff  }
0x1fc: {  	v2 =	vld.idx.msk [tilespmem:v4+s3+$0x0], $0xffff;
	[tilespmem:s23+$0x0] =	vst v6  }
0x1fd: {  	s25 =	sadd.s32 $0x80, s25;
	v4 =	vld.idx.msk [tilespmem:v7+s3+$0x0], $0xffff;
	[tilespmem:s23+$0xFFFFFFA0] =	vst v8  }
0x1fe: {  	[tilespmem:s23+$0xFFFFFFB0] =	vst v5  }
0x1ff: {  	[tilespmem:s23+$0xFFFFFFC0] =	vst v3  }
0x200: {  	[tilespmem:s23+$0xFFFFFFD0] =	vst v0  }
0x201: {  	[tilespmem:s23+$0xFFFFFFE0] =	vst v1  }
0x202: {  	s24 =	simm.s32 $0x1C780;
	[tilespmem:s23+$0xFFFFFFF0] =	vst v2  }
0x203: {  	s30 =	sadd.s32 $0x0, s19;
	s25 =	simm.s32 $0x1C880;
	[tilespmem:s23+$0xFFFFFF90] =	vst v4;
	s23 =	simm.s32 $0x80  }
.LBB2_32:
0x204: {  	[hbm4b:s30+s3] =	stream.linear.scatter [tilespmem:s24], [sflag:$0x2], $0x80, $0x38;
	[tilespmem:$0x1EB00] =	vst v63  }
0x205: {  	s30 =	smov.u32 s23;
	s24 =	smov.u32 s25;
	p0 =	sne.s32 s23, $0xF80  }
.Ltmp15:
0x206: {  	s23 =	sadd.s32 $0x80, s23;
	(pc) =	sbr.rel @p0 .LBB2_32-.Ltmp15, $2  }
0x207: {  	_ =	sdelay $0x2  }
0x208: {  	s25 =	sadd.s32 $0x100, s25;
	s30 =	sadd.s32 s30, s19  }
0x209: {  	[hbm4b:s30+s3] =	stream.linear.scatter [tilespmem:s24], [sflag:$0x2], $0x80, $0x38;
	[tilespmem:$0x1EB00] =	vst v63  }
0x20a: {  	_ =	swait.ge [sflag:s1], $0x1000  }
0x20b: {  	[sflag:s1] =	ssyncset.done $0x0  }
0x20c: {  	[sflag:s1] =	ssyncadd.s32 $0xFFFFF000  }
0x20d: {  	_ =	swait.ge [sflag:s26], $0x1000  }
0x20e: {  	s20 =	sadd.s32 $0x1, s20;
	s23 =	rddreg [dreg:$0x7]  }
0x20f: {  	p0 =	sne.s32 s20, s23  }
.Ltmp16:
0x210: {  	_ = 	snop;
	(pc) =	sbr.rel @p0 .LBB2_1-.Ltmp16, $3  }
0x211: {  	_ =	sdelay $0x1  }
0x212: {  	[sflag:s26] =	ssyncset.done $0x0  }
0x213: {  	[sflag:s26] =	ssyncadd.s32 $0xFFFFF000  }
0x214: {  	_ =	sfence.sel $0x180000  }
0x215: {  	[bflag:$0x0] =	sbarrier.arrive $0xFFFF  }
0x216: {  	_ =	strace $0x90000047  }
0x217: {  	s0 =	stileid.u32;
	[bflag:$0x2] =	sbarrier.arrive $0xFFFF  }
0x218: {  	p0 =	sne.s32 s0, $0x0;
	s0 =	rddreg [dreg:$0x4]  }
0x219: {  	s0 =	sadd.s32 @!p0 $0x100000, s0  }
0x21a: {  	[sflag:s0] =	ssyncadd.tile.s32 @!p0 $0x1;
	_ =	shalt  }
.Lfunc_end2:
_tile_overlayer_lowered:
.L_overlay_start_2:
0x21b: {  	(tag) =	ssettag $0x2  }
0x21c: {  	s0 =	rddreg [dreg:$0x0];
	s2 =	stileid.u32  }
0x21d: {  	s1 =	rddreg [dreg:$0x1];
	p0 =	sne.s32 s2, $0x0  }
0x21e: {  	s3 =	rddreg [dreg:$0x2];
	[bflag:$0x3] =	sbarrier.arrive $0xFFFF;
	s2 =	simm.s32 @!p0 $0x1C05  }
0x21f: {  	[timem:s3], [sflag:s2] =	dma.local @!p0 [hbm:s0], s1  }
0x220: {  	s0 =	simm.s32 @!p0 $0x5  }
0x221: {  	_ =	swait.ge @!p0 [sflag:s0], s1  }
0x222: {  	s1 =	ssub.s32 @!p0 $0x0, s1;
	[sflag:s0] =	ssyncset.done @!p0 $0x0  }
0x223: {  	[sflag:s0] =	ssyncadd.s32 @!p0 s1  }
0x224: {  	[bflag:$0x3] =	sbarrier.arrive $0xFFFF  }
0x225: {  	_ =	shalt  }

</sc_bundles>
